<compile_context>
chip_gen: v7x
topology: tpu7x:2x2x1
jax: 0.10.2.dev20260603
libtpu: 0.0.44.dev20260713+nightly
codegen_flags: <defaults>
</compile_context>

<pallas_src>
import functools

import numpy as np
import jax
import jax.numpy as jnp
from jax import lax
from jax.experimental import pallas as pl
from jax.experimental.pallas import tpu as pltpu
from jax.experimental.pallas import tpu_sc as plsc

_NUM_CLASSES = 80
_A = 8400
_G = 60
_KC = 10
_B = 8
_NW = 32
_ROWS_W = 40
_PX_W = 2560
_VREGS_W = _PX_W // 16


def _sc_gather_tables():
    specs = [
        (20, 32, 80, 8),
        (8, 40, 40, 16),
        (4, 40, 20, 32),
    ]
    row_ids = np.zeros((_NW, _ROWS_W), np.int64)
    lri = np.zeros((_NW, _PX_W), np.int64)
    ci = np.zeros((_NW, _PX_W), np.int64)
    t0 = 0
    for nt, rpt, ppr, step in specs:
        ys = np.arange(step // 2, 640, step)
        rows = (np.arange(_B)[:, None] * 640 + ys[None, :]).reshape(-1)
        npx = rpt * ppr
        j = np.arange(npx)
        r = j // ppr
        col0 = (2 * step) * (j % ppr) + step
        for t in range(nt):
            row_ids[t0 + t, :rpt] = rows[t * rpt:(t + 1) * rpt]
            lri[t0 + t, :npx] = r
            ci[t0 + t, :npx] = col0
        t0 += nt
    return (jnp.asarray(row_ids.reshape(-1), jnp.int32),
            jnp.asarray(lri.reshape(-1), jnp.int32),
            jnp.asarray(ci.reshape(-1), jnp.int32))


def _sc_mask_gather(masks):
    table = masks.reshape(_B * 640, 1280)
    rid, lri, ci = _sc_gather_tables()
    mesh = plsc.VectorSubcoreMesh(core_axis_name="c", subcore_axis_name="s")

    @functools.partial(
        pl.kernel, mesh=mesh,
        compiler_params=pltpu.CompilerParams(needs_layout_passes=False),
        out_type=tuple(jax.ShapeDtypeStruct((_B * n,), jnp.float32)
                       for n in (6400, 6400, 1600, 1600, 400, 400)),
        scratch_types=[
            pltpu.VMEM((_ROWS_W,), jnp.int32),
            pltpu.VMEM((_ROWS_W, 1280), jnp.float32),
            pltpu.VMEM((_PX_W,), jnp.int32),
            pltpu.VMEM((_PX_W,), jnp.int32),
            pltpu.VMEM((_PX_W,), jnp.float32),
            pltpu.VMEM((_PX_W,), jnp.float32),
            pltpu.SemaphoreType.DMA,
        ],
    )
    def gather_k(table_hbm, rid_hbm, lri_hbm, ci_hbm,
                 bm0_hbm, tm0_hbm, bm1_hbm, tm1_hbm, bm2_hbm, tm2_hbm,
                 rid_v, rows_v, lri_v, ci_v, bm_v, tm_v, sem):
        wid = lax.axis_index("s") * 2 + lax.axis_index("c")
        pltpu.sync_copy(rid_hbm.at[pl.ds(wid * _ROWS_W, _ROWS_W)], rid_v)
        pltpu.sync_copy(lri_hbm.at[pl.ds(wid * _PX_W, _PX_W)], lri_v)
        pltpu.sync_copy(ci_hbm.at[pl.ds(wid * _PX_W, _PX_W)], ci_v)
        pltpu.async_copy(table_hbm.at[rid_v], rows_v, sem).wait()

        @pl.loop(0, _VREGS_W)
        def _(j):
            rr = lri_v[pl.ds(j * 16, 16)]
            cc = ci_v[pl.ds(j * 16, 16)]
            bm_v[pl.ds(j * 16, 16)] = plsc.load_gather(rows_v, [rr, cc])
            tm_v[pl.ds(j * 16, 16)] = plsc.load_gather(rows_v, [rr, cc + 1])

        @pl.when(wid < 20)
        def _():
            pltpu.sync_copy(bm_v, bm0_hbm.at[pl.ds(wid * 2560, 2560)])
            pltpu.sync_copy(tm_v, tm0_hbm.at[pl.ds(wid * 2560, 2560)])

        @pl.when((wid >= 20) & (wid < 28))
        def _():
            pltpu.sync_copy(bm_v.at[pl.ds(0, 1600)],
                            bm1_hbm.at[pl.ds((wid - 20) * 1600, 1600)])
            pltpu.sync_copy(tm_v.at[pl.ds(0, 1600)],
                            tm1_hbm.at[pl.ds((wid - 20) * 1600, 1600)])

        @pl.when(wid >= 28)
        def _():
            pltpu.sync_copy(bm_v.at[pl.ds(0, 800)],
                            bm2_hbm.at[pl.ds((wid - 28) * 800, 800)])
            pltpu.sync_copy(tm_v.at[pl.ds(0, 800)],
                            tm2_hbm.at[pl.ds((wid - 28) * 800, 800)])

    outs = gather_k(table, rid, lri, ci)
    ns = (6400, 6400, 1600, 1600, 400, 400)
    return tuple(o.reshape(_B, 1, n) for o, n in zip(outs, ns))


def _softplus(x):
    return jnp.maximum(x, 0.0) + jnp.log1p(jnp.exp(-jnp.abs(x)))


def _loss_kernel(tgt_ref, out_ref_n, gT_ref, sT_ref,
                 bm0_ref, tm0_ref, bm1_ref, tm1_ref, bm2_ref, tm2_ref,
                 out_ref):
    f32 = jnp.float32
    tgt = tgt_ref[0]
    tcls = tgt[:, 0:1]
    gx = tgt[:, 1:2]
    gy = tgt[:, 2:3]
    gw = tgt[:, 3:4]
    gh = tgt[:, 4:5]
    validf = (tcls > 0.0).astype(f32)

    X = out_ref_n[0]
    e8 = (jax.lax.broadcasted_iota(jnp.int32, (8, 6 + _NUM_CLASSES), 0)
          == jax.lax.broadcasted_iota(jnp.int32, (8, 6 + _NUM_CLASSES), 1)
          ).astype(f32)
    o6T = jax.lax.dot_general(e8, X, (((1,), (1,)), ((), ())),
                              precision=jax.lax.Precision.HIGHEST,
                              preferred_element_type=f32)
    px = o6T[0:1, :]
    py = o6T[1:2, :]
    pw = o6T[2:3, :]
    ph = o6T[3:4, :]

    sT = sT_ref[...]
    cx = (gT_ref[0:1, :] + 0.5) * sT
    cy = (gT_ref[1:2, :] + 0.5) * sT
    rad = 2.5 * sT

    gx1 = gx - gw * 0.5
    gx2 = gx + gw * 0.5
    gy1 = gy - gh * 0.5
    gy2 = gy + gh * 0.5
    px1 = px - pw * 0.5
    px2 = px + pw * 0.5
    py1 = py - ph * 0.5
    py2 = py + ph * 0.5
    iw = jnp.clip(jnp.minimum(gx2, px2) - jnp.maximum(gx1, px1), 0.0, None)
    ih = jnp.clip(jnp.minimum(gy2, py2) - jnp.maximum(gy1, py1), 0.0, None)
    inter = iw * ih
    area_g = gw * gh
    area_p = pw * ph
    iou = inter / (area_g + area_p - inter + 1e-8) * validf

    in_box = ((cx >= gx1) & (cx <= gx2) & (cy >= gy1) & (cy <= gy2))
    in_ctr = ((jnp.abs(cx - gx) < rad) & (jnp.abs(cy - gy) < rad))
    geomf = (in_box | in_ctr).astype(f32)
    cost = 1e5 * (1.0 - geomf) + 1e5 * (1.0 - validf) - iou
    iou_g = iou * geomf

    lane = jax.lax.broadcasted_iota(jnp.int32, (_G, _A), 1).astype(f32)
    work = cost
    s = jnp.zeros((_G, 1), f32)
    cv = []
    iv = []
    for _ in range(_KC):
        m = jnp.min(work, axis=1, keepdims=True)
        is_min = work == m
        first = jnp.min(jnp.where(is_min, lane, 1e9), axis=1,
                        keepdims=True)
        pick = is_min & (lane == first)
        s = s + jnp.sum(jnp.where(pick, iou_g, 0.0), axis=1, keepdims=True)
        cv.append(m)
        iv.append(first)
        work = jnp.where(pick, 1e30, work)

    kf = jnp.clip(jnp.floor(s), 1.0, float(_KC))
    thr = jnp.zeros((_G, 1), f32)
    for j in range(_KC):
        thr = thr + jnp.where(kf == float(j + 1), cv[j], 0.0)
    tie_j = jnp.full((_G, 1), -1.0, f32)
    for j in range(_KC):
        sel = (float(j) < kf) & (cv[j] == thr)
        tie_j = jnp.maximum(tie_j, jnp.where(sel, iv[j], -1.0))

    matching = (validf * ((cost < thr)
                          | ((cost == thr) & (lane <= tie_j))).astype(f32))
    colsum = jnp.sum(matching, axis=0, keepdims=True)
    conflict = colsum > 1.0
    mc = jnp.min(cost, axis=0, keepdims=True)
    gidx = jax.lax.broadcasted_iota(jnp.int32, (_G, _A), 0).astype(f32)
    firstg = jnp.min(jnp.where(cost == mc, gidx, 1e9), axis=0, keepdims=True)
    is_amin = (gidx == firstg).astype(f32)
    keep = matching * jnp.where(conflict, is_amin, 1.0)

    fg = jnp.sum(keep, axis=0, keepdims=True)
    num_fg = jnp.sum(fg)
    num_gt = jnp.sum(validf)
    pred_ious = jnp.sum(keep * iou, axis=0, keepdims=True)
    mgx = jnp.sum(keep * gx, axis=0, keepdims=True)
    mgy = jnp.sum(keep * gy, axis=0, keepdims=True)
    mgw = jnp.sum(keep * gw, axis=0, keepdims=True)
    mgh = jnp.sum(keep * gh, axis=0, keepdims=True)

    tlx = jnp.maximum(px1, mgx - mgw * 0.5)
    brx = jnp.minimum(px2, mgx + mgw * 0.5)
    tly = jnp.maximum(py1, mgy - mgh * 0.5)
    bry = jnp.minimum(py2, mgy + mgh * 0.5)
    rw = jnp.clip(brx - tlx, 0.0, None)
    rh = jnp.clip(bry - tly, 0.0, None)
    rinter = rw * rh
    runion = pw * ph + mgw * mgh - rinter + 1e-16
    riou = rinter / runion
    t_reg = jnp.sum((1.0 - riou * riou) * fg)

    x5 = o6T[5:6, :]
    t_iou = jnp.sum((_softplus(x5) - x5 * pred_ious) * fg)

    xc = out_ref_n[0][:, 6:]
    sp_sum = jnp.sum(_softplus(xc))
    m_gc = jax.lax.dot_general(keep, xc, (((1,), (0,)), ((), ())),
                               preferred_element_type=f32)
    ccol = jax.lax.broadcasted_iota(jnp.int32, (_G, _NUM_CLASSES), 1).astype(f32)
    cg = jnp.clip(tcls - 1.0, 0.0, float(_NUM_CLASSES - 1))
    corr = jnp.sum(m_gc * (ccol == cg).astype(f32))
    t_cls = sp_sum - corr

    x4 = o6T[4:5, :]
    t_mask = jnp.float32(0.0)
    num_m = jnp.float32(0.0)
    for b_ref, t_ref, lo, hi in ((bm0_ref, tm0_ref, 0, 6400),
                                 (bm1_ref, tm1_ref, 6400, 8000),
                                 (bm2_ref, tm2_ref, 8000, 8400)):
        bmr = b_ref[0]
        tmr = t_ref[0]
        idx = ((bmr + tmr) > 0.0).astype(f32)
        x4s = x4[:, lo:hi]
        t_mask = t_mask + jnp.sum((_softplus(x4s) - x4s * tmr) * idx)
        num_m = num_m + jnp.sum(idx)

    lane_o = jax.lax.broadcasted_iota(jnp.int32, (1, 1, 128), 2).astype(f32)
    acc = (jnp.where(lane_o == 0.0, t_iou, 0.0)
           + jnp.where(lane_o == 1.0, t_reg, 0.0)
           + jnp.where(lane_o == 2.0, t_cls, 0.0)
           + jnp.where(lane_o == 3.0, t_mask, 0.0)
           + jnp.where(lane_o == 4.0, num_fg, 0.0)
           + jnp.where(lane_o == 5.0, num_gt, 0.0)
           + jnp.where(lane_o == 6.0, num_m, 0.0))
    out_ref[...] = acc


def kernel(targets, strides, grids, outputs, regs, masks, use_augs):
    B = outputs.shape[0]
    bm0, tm0, bm1, tm1, bm2, tm2 = _sc_mask_gather(masks)
    gT = grids.T
    sT = strides.T

    partials = pl.pallas_call(
        _loss_kernel,
        grid=(B,),
        in_specs=[
            pl.BlockSpec((1, _G, 5), lambda i: (i, 0, 0)),
            pl.BlockSpec((1, _A, 6 + _NUM_CLASSES), lambda i: (i, 0, 0)),
            pl.BlockSpec((2, _A), lambda i: (0, 0)),
            pl.BlockSpec((1, _A), lambda i: (0, 0)),
            pl.BlockSpec((1, 1, 6400), lambda i: (i, 0, 0)),
            pl.BlockSpec((1, 1, 6400), lambda i: (i, 0, 0)),
            pl.BlockSpec((1, 1, 1600), lambda i: (i, 0, 0)),
            pl.BlockSpec((1, 1, 1600), lambda i: (i, 0, 0)),
            pl.BlockSpec((1, 1, 400), lambda i: (i, 0, 0)),
            pl.BlockSpec((1, 1, 400), lambda i: (i, 0, 0)),
        ],
        out_specs=pl.BlockSpec((1, 1, 128), lambda i: (i, 0, 0)),
        out_shape=jax.ShapeDtypeStruct((B, 1, 128), jnp.float32),
    )(targets, outputs, gT, sT, bm0, tm0, bm1, tm1, bm2, tm2)

    sums = jnp.sum(partials[:, 0, :7], axis=0)
    t_iou, t_reg, t_cls, t_mask, num_f, num_g, num_m = [sums[i]
                                                        for i in range(7)]
    num_f = jnp.maximum(num_f, 1.0)
    num_g = jnp.maximum(num_g, 1.0)
    num_m = jnp.maximum(num_m, 1.0)
    iou_loss = t_iou / num_f
    reg_loss = t_reg / num_f * 5.0
    cls_loss = t_cls / num_f
    mask_loss = t_mask / num_m * 2.0
    total = iou_loss + reg_loss + cls_loss + mask_loss
    return (total, iou_loss, reg_loss, cls_loss, mask_loss, num_f / num_g)

# --- scband reference (transcript-rebuilt; emitter-appended) ---
"""Pipeline reference for scband-my-net-loss-9216999817658 (READ-ONLY COPY).

The authoritative reference and input builder live on the scoring server;
editing this copy changes nothing except your own understanding.
"""

import jax, jax.numpy as jnp
import numpy as np

NUM_CLASSES = 80
SIZES = [80, 40, 20]
STRIDE_VALS = [8, 16, 32]

def _make_grids():
    gs, ss = [], []
    for s, st in zip(SIZES, STRIDE_VALS):
        yv, xv = jnp.meshgrid(jnp.arange(s, dtype=jnp.float32), jnp.arange(s, dtype=jnp.float32), indexing='ij')
        gs.append(jnp.stack([xv, yv], -1).reshape(-1, 2))
        ss.append(jnp.full((s * s, 1), float(st), jnp.float32))
    return jnp.concatenate(gs, 0), jnp.concatenate(ss, 0)

def setup_inputs(seed: int = 0):
    key = jax.random.key(seed)
    ks = jax.random.split(key, 8)
    B, G, A = 8, 60, 8400
    grids, strides = _make_grids()
    cls = jax.random.randint(ks[0], (B, G), 1, NUM_CLASSES + 1).astype(jnp.float32)
    valid = (jnp.arange(G)[None, :] < 40).astype(jnp.float32)
    cls = cls * valid
    cxy = jax.random.uniform(ks[1], (B, G, 2), minval=60.0, maxval=580.0)
    wh = jax.random.uniform(ks[2], (B, G, 2), minval=20.0, maxval=120.0)
    targets = jnp.concatenate([cls[..., None], cxy, wh], -1)
    centers = (grids + 0.5) * strides
    box_xy = centers[None, :, :] + 5.0 * jax.random.normal(ks[3], (B, A, 2))
    box_wh = jax.random.uniform(ks[4], (B, A, 2), minval=20.0, maxval=100.0)
    rest = jax.random.normal(ks[5], (B, A, 2 + NUM_CLASSES)) * 0.5
    outputs = jnp.concatenate([box_xy, box_wh, rest], -1)
    regs = jax.random.normal(ks[6], (B, A, 4))
    masks = (jax.random.uniform(ks[7], (B, 640, 640, 2)) < 0.3).astype(jnp.float32)
    use_augs = jnp.zeros((B,), jnp.bool_)
    return {'targets': targets, 'strides': strides, 'grids': grids, 'outputs': outputs, 'regs': regs, 'masks': masks, 'use_augs': use_augs}

def _nearest_resize(x, size):
    B, H, W = x.shape
    ri = jnp.floor((jnp.arange(size) + 0.5) * H / size).astype(jnp.int32)
    ci = jnp.floor((jnp.arange(size) + 0.5) * W / size).astype(jnp.int32)
    return x[:, ri][:, :, ci]

def _bce_logits(x, z):
    return jnp.maximum(x, 0.0) - x * z + jnp.log1p(jnp.exp(-jnp.abs(x)))

def _pairwise_iou(gt, pred):
    gt_tl = gt[:, :2] - gt[:, 2:4] * 0.5
    gt_br = gt[:, :2] + gt[:, 2:4] * 0.5
    pr_tl = pred[:, :2] - pred[:, 2:4] * 0.5
    pr_br = pred[:, :2] + pred[:, 2:4] * 0.5
    tl = jnp.maximum(gt_tl[:, None, :], pr_tl[None, :, :])
    br = jnp.minimum(gt_br[:, None, :], pr_br[None, :, :])
    wh = jnp.clip(br - tl, 0.0)
    inter = wh[..., 0] * wh[..., 1]
    area_g = (gt[:, 2] * gt[:, 3])[:, None]
    area_p = (pred[:, 2] * pred[:, 3])[None, :]
    return inter / (area_g + area_p - inter + 1e-8)

def _sim_ota(output, target, grids, strides):
    G = target.shape[0]
    A = output.shape[0]
    valid = target[:, 0] > 0
    gt_boxes = target[:, 1:5]
    pred_boxes = output[:, :4]
    iou = _pairwise_iou(gt_boxes, pred_boxes) * valid[:, None]
    centers = (grids + 0.5) * strides
    gx1 = gt_boxes[:, 0] - gt_boxes[:, 2] * 0.5
    gx2 = gt_boxes[:, 0] + gt_boxes[:, 2] * 0.5
    gy1 = gt_boxes[:, 1] - gt_boxes[:, 3] * 0.5
    gy2 = gt_boxes[:, 1] + gt_boxes[:, 3] * 0.5
    in_box = (centers[None, :, 0] >= gx1[:, None]) & (centers[None, :, 0] <= gx2[:, None]) & (centers[None, :, 1] >= gy1[:, None]) & (centers[None, :, 1] <= gy2[:, None])
    radius = 2.5 * strides[:, 0]
    in_ctr = (jnp.abs(centers[None, :, 0] - gt_boxes[:, 0:1]) < radius[None, :]) & (jnp.abs(centers[None, :, 1] - gt_boxes[:, 1:2]) < radius[None, :])
    geom = in_box | in_ctr
    cost = -jnp.log(iou + 1e-8) + 1e5 * (~geom) + 1e5 * (~valid)[:, None]
    kc = 10
    topk_ious, _ = jax.lax.top_k(iou * geom, kc)
    dyn_k = jnp.clip(jnp.floor(topk_ious.sum(-1)).astype(jnp.int32), 1, kc)
    _, topi = jax.lax.top_k(-cost, kc)
    rank_ok = (jnp.arange(kc)[None, :] < dyn_k[:, None]) & valid[:, None]
    matching = jnp.zeros((G, A)).at[jnp.arange(G)[:, None], topi].add(rank_ok.astype(jnp.float32))
    conflict = matching.sum(0) > 1
    min_cost_gt = jnp.argmin(cost, 0)
    keep = jnp.where(conflict[None, :], (jnp.arange(G)[:, None] == min_cost_gt[None, :]) & (matching > 0), matching > 0)
    matching = keep.astype(jnp.float32)
    fg_mask = matching.sum(0) > 0
    matched_gt = jnp.argmax(matching, 0)
    pred_ious = iou[matched_gt, jnp.arange(A)]
    sg = jax.lax.stop_gradient
    return sg(fg_mask), sg(pred_ious), sg(matched_gt), sg(fg_mask.sum().astype(jnp.float32)), sg(valid.sum().astype(jnp.float32))

def _iou_loss(pred, gt):
    p_tl = pred[:, :2] - pred[:, 2:4] * 0.5
    p_br = pred[:, :2] + pred[:, 2:4] * 0.5
    g_tl = gt[:, :2] - gt[:, 2:4] * 0.5
    g_br = gt[:, :2] + gt[:, 2:4] * 0.5
    tl = jnp.maximum(p_tl, g_tl)
    br = jnp.minimum(p_br, g_br)
    wh = jnp.clip(br - tl, 0.0)
    inter = wh[:, 0] * wh[:, 1]
    union = pred[:, 2] * pred[:, 3] + gt[:, 2] * gt[:, 3] - inter + 1e-16
    iou = inter / union
    return 1.0 - iou ** 2

def reference(targets, strides, grids, outputs, regs, masks, use_augs):
    B = outputs.shape[0]
    tmp = []
    for size in SIZES:
        bm = _nearest_resize(masks[..., 0], size).reshape(B, -1, 1)
        tm = _nearest_resize(masks[..., 1], size).reshape(B, -1, 1)
        tmp.append(jnp.concatenate([bm, tm], -1))
    masks_r = jnp.concatenate(tmp, -2)
    num_f = 0.0
    num_g = 0.0
    num_m = 0.0
    t_iou = 0.0
    t_reg = 0.0
    t_cls = 0.0
    t_mask = 0.0
    for i in range(B):
        target = targets[i]
        output = outputs[i]
        mask = masks_r[i]
        fg_mask, pred_ious, matched_gt, num_fg, num_gt = _sim_ota(output, target, grids, strides)
        fg = fg_mask.astype(output.dtype)
        index_mask = (mask.sum(-1) > 0).astype(output.dtype)
        gt_cls = jnp.clip(target[matched_gt, 0].astype(jnp.int32) - 1, 0, NUM_CLASSES - 1)
        gt_cls_target = jax.nn.one_hot(gt_cls, NUM_CLASSES, dtype=output.dtype) * fg[:, None]
        loss_reg = (_iou_loss(output[:, :4], target[matched_gt, 1:5]) * fg).sum()
        loss_mas = (_bce_logits(output[:, 4], mask[:, 1]) * index_mask).sum()
        loss_iou = (_bce_logits(output[:, 5], pred_ious) * fg).sum()
        loss_cls = _bce_logits(output[:, 6:], gt_cls_target).sum()
        num_m = num_m + index_mask.sum()
        t_iou = t_iou + loss_iou
        t_reg = t_reg + loss_reg
        t_cls = t_cls + loss_cls
        t_mask = t_mask + loss_mas
        num_f = num_f + num_fg
        num_g = num_g + num_gt
    num_f = jnp.maximum(num_f, 1.0)
    num_g = jnp.maximum(num_g, 1.0)
    num_m = jnp.maximum(num_m, 1.0)
    iou_loss = t_iou / num_f
    reg_loss = t_reg / num_f * 5.0
    cls_loss = t_cls / num_f
    mask_loss = t_mask / num_m * 2.0
    total = iou_loss + reg_loss + cls_loss + mask_loss
    return (total, iou_loss, reg_loss, cls_loss, mask_loss, num_f / num_g)

if __name__ == "__main__":
    import jax
    _d = setup_inputs()
    print(jax.jit(kernel)(*tuple(_d.values())))

</pallas_src>

<mosaic_0001>
#map = affine_map<(d0, d1) -> (0, 0)>
#map1 = affine_map<(d0, d1) -> (0)>
module attributes {stable_mosaic.version = 14 : i64} {
  func.func @gather_k(%arg0: i32, %arg1: i32, %arg2: memref<5120x1280xf32, #tpu.memory_space<hbm>>, %arg3: memref<1280xi32, #tpu.memory_space<hbm>>, %arg4: memref<81920xi32, #tpu.memory_space<hbm>>, %arg5: memref<81920xi32, #tpu.memory_space<hbm>>, %arg6: memref<51200xf32, #tpu.memory_space<hbm>>, %arg7: memref<51200xf32, #tpu.memory_space<hbm>>, %arg8: memref<12800xf32, #tpu.memory_space<hbm>>, %arg9: memref<12800xf32, #tpu.memory_space<hbm>>, %arg10: memref<3200xf32, #tpu.memory_space<hbm>>, %arg11: memref<3200xf32, #tpu.memory_space<hbm>>, %arg12: memref<40xi32, #tpu.memory_space<vmem>>, %arg13: memref<40x1280xf32, #tpu.memory_space<vmem>>, %arg14: memref<2560xi32, #tpu.memory_space<vmem>>, %arg15: memref<2560xi32, #tpu.memory_space<vmem>>, %arg16: memref<2560xf32, #tpu.memory_space<vmem>>, %arg17: memref<2560xf32, #tpu.memory_space<vmem>>, %arg18: memref<!tpu.dma_semaphore, #tpu.memory_space<semaphore_mem>>) attributes {dimension_semantics = [#tpu.dimension_semantics<core_parallel>, #tpu.dimension_semantics<subcore_parallel>], iteration_bounds = array<i64: 2, 16>, scalar_prefetch = 0 : i64, scratch_operands = 7 : i64, tpu.core_type = #tpu.core_type<sc_vector_subcore>, window_params = [{transform_indices = #map}, {transform_indices = #map1}, {transform_indices = #map1}, {transform_indices = #map1}, {transform_indices = #map1}, {transform_indices = #map1}, {transform_indices = #map1}, {transform_indices = #map1}, {transform_indices = #map1}, {transform_indices = #map1}]} {
    %mul3A = arith.constant 2 : i32
    %mul3A_0 = arith.muli %arg1, %mul3A : i32
    %add3A = arith.addi %mul3A_0, %arg0 : i32
    %mul3A_1 = arith.constant 40 : i32
    %mul3A_2 = arith.muli %add3A, %mul3A_1 : i32
    "tpu.region"() ({
      %run_scoped3A = tpu.sem_alloc : memref<!tpu.dma_semaphore, #tpu.memory_space<semaphore_mem>>
      %dma_start3A_28 = tpu.memref_slice %arg3[%mul3A_2] : memref<1280xi32, #tpu.memory_space<hbm>> -> memref<40xi32, #tpu.memory_space<hbm>>
      %dma_start3A_29 = tpu.memref_slice %arg3[%mul3A_2] : memref<1280xi32, #tpu.memory_space<hbm>> -> memref<40xi32, #tpu.memory_space<hbm>>
      tpu.enqueue_dma source(%dma_start3A_29 : memref<40xi32, #tpu.memory_space<hbm>>) target(%arg12 : memref<40xi32, #tpu.memory_space<vmem>>) target_semaphore(%run_scoped3A : memref<!tpu.dma_semaphore, #tpu.memory_space<semaphore_mem>>)
      %dma_wait3A_30 = tpu.memref_slice %arg3[%mul3A_2] : memref<1280xi32, #tpu.memory_space<hbm>> -> memref<40xi32, #tpu.memory_space<hbm>>
      %dma_wait3A_31 = tpu.memref_slice %arg3[%mul3A_2] : memref<1280xi32, #tpu.memory_space<hbm>> -> memref<40xi32, #tpu.memory_space<hbm>>
      tpu.wait_dma2 semaphore(%run_scoped3A : memref<!tpu.dma_semaphore, #tpu.memory_space<semaphore_mem>>) src(%dma_wait3A_31 : memref<40xi32, #tpu.memory_space<hbm>>) dst(%arg12 : memref<40xi32, #tpu.memory_space<vmem>>)
      tpu.yield
    }) : () -> ()
    %mul3A_3 = arith.constant 2560 : i32
    %mul3A_4 = arith.muli %add3A, %mul3A_3 : i32
    "tpu.region"() ({
      %run_scoped3A = tpu.sem_alloc : memref<!tpu.dma_semaphore, #tpu.memory_space<semaphore_mem>>
      %dma_start3A_28 = tpu.memref_slice %arg4[%mul3A_4] : memref<81920xi32, #tpu.memory_space<hbm>> -> memref<2560xi32, #tpu.memory_space<hbm>>
      %dma_start3A_29 = tpu.memref_slice %arg4[%mul3A_4] : memref<81920xi32, #tpu.memory_space<hbm>> -> memref<2560xi32, #tpu.memory_space<hbm>>
      tpu.enqueue_dma source(%dma_start3A_29 : memref<2560xi32, #tpu.memory_space<hbm>>) target(%arg14 : memref<2560xi32, #tpu.memory_space<vmem>>) target_semaphore(%run_scoped3A : memref<!tpu.dma_semaphore, #tpu.memory_space<semaphore_mem>>)
      %dma_wait3A_30 = tpu.memref_slice %arg4[%mul3A_4] : memref<81920xi32, #tpu.memory_space<hbm>> -> memref<2560xi32, #tpu.memory_space<hbm>>
      %dma_wait3A_31 = tpu.memref_slice %arg4[%mul3A_4] : memref<81920xi32, #tpu.memory_space<hbm>> -> memref<2560xi32, #tpu.memory_space<hbm>>
      tpu.wait_dma2 semaphore(%run_scoped3A : memref<!tpu.dma_semaphore, #tpu.memory_space<semaphore_mem>>) src(%dma_wait3A_31 : memref<2560xi32, #tpu.memory_space<hbm>>) dst(%arg14 : memref<2560xi32, #tpu.memory_space<vmem>>)
      tpu.yield
    }) : () -> ()
    %mul3A_5 = arith.constant 2560 : i32
    %mul3A_6 = arith.muli %add3A, %mul3A_5 : i32
    "tpu.region"() ({
      %run_scoped3A = tpu.sem_alloc : memref<!tpu.dma_semaphore, #tpu.memory_space<semaphore_mem>>
      %dma_start3A_28 = tpu.memref_slice %arg5[%mul3A_6] : memref<81920xi32, #tpu.memory_space<hbm>> -> memref<2560xi32, #tpu.memory_space<hbm>>
      %dma_start3A_29 = tpu.memref_slice %arg5[%mul3A_6] : memref<81920xi32, #tpu.memory_space<hbm>> -> memref<2560xi32, #tpu.memory_space<hbm>>
      tpu.enqueue_dma source(%dma_start3A_29 : memref<2560xi32, #tpu.memory_space<hbm>>) target(%arg15 : memref<2560xi32, #tpu.memory_space<vmem>>) target_semaphore(%run_scoped3A : memref<!tpu.dma_semaphore, #tpu.memory_space<semaphore_mem>>)
      %dma_wait3A_30 = tpu.memref_slice %arg5[%mul3A_6] : memref<81920xi32, #tpu.memory_space<hbm>> -> memref<2560xi32, #tpu.memory_space<hbm>>
      %dma_wait3A_31 = tpu.memref_slice %arg5[%mul3A_6] : memref<81920xi32, #tpu.memory_space<hbm>> -> memref<2560xi32, #tpu.memory_space<hbm>>
      tpu.wait_dma2 semaphore(%run_scoped3A : memref<!tpu.dma_semaphore, #tpu.memory_space<semaphore_mem>>) src(%dma_wait3A_31 : memref<2560xi32, #tpu.memory_space<hbm>>) dst(%arg15 : memref<2560xi32, #tpu.memory_space<vmem>>)
      tpu.yield
    }) : () -> ()
    %dma_start3A = arith.constant 0 : i32
    %dma_start3A_7 = arith.constant 0 : i32
    %dma_start3A_8 = tpu.memref_slice %arg2[%dma_start3A, %dma_start3A_7] : memref<5120x1280xf32, #tpu.memory_space<hbm>> -> memref<5120x1280xf32, #tpu.memory_space<hbm>>
    tpu.enqueue_indirect_dma source(%dma_start3A_8 : memref<5120x1280xf32, #tpu.memory_space<hbm>>) target(%arg13 : memref<40x1280xf32, #tpu.memory_space<vmem>>) offsets(%arg12 : memref<40xi32, #tpu.memory_space<vmem>>) semaphore(%arg18 : memref<!tpu.dma_semaphore, #tpu.memory_space<semaphore_mem>>)
    %dma_wait3A = arith.constant 0 : i32
    %dma_wait3A_9 = arith.constant 0 : i32
    %dma_wait3A_10 = tpu.memref_slice %arg2[%dma_wait3A, %dma_wait3A_9] : memref<5120x1280xf32, #tpu.memory_space<hbm>> -> memref<5120x1280xf32, #tpu.memory_space<hbm>>
    tpu.wait_indirect_dma semaphore(%arg18 : memref<!tpu.dma_semaphore, #tpu.memory_space<semaphore_mem>>) src(%dma_wait3A_10 : memref<5120x1280xf32, #tpu.memory_space<hbm>>) dst(%arg13 : memref<40x1280xf32, #tpu.memory_space<vmem>>)
    %scan3A = arith.constant 0 : i32
    %scan3A_11 = arith.constant 160 : i32
    %scan3A_12 = arith.addi %scan3A, %scan3A_11 : i32
    %scan3A_13 = arith.constant 1 : i32
    scf.for %scan3A_28 = %scan3A to %scan3A_12 step %scan3A_13  : i32 {
      %mul3A_29 = arith.constant 1 : i32
      %mul3A_30 = arith.muli %scan3A_28, %mul3A_29 : i32
      %add3A_31 = arith.constant 0 : i32
      %add3A_32 = arith.addi %add3A_31, %mul3A_30 : i32
      %mul3A_33 = arith.constant 16 : i32
      %mul3A_34 = arith.muli %add3A_32, %mul3A_33 : i32
      %get3A = arith.index_cast %mul3A_34 : i32 to index
      %get3A_35 = tpu.vector_load %arg14[%get3A] {strides = array<i32>} : memref<2560xi32, #tpu.memory_space<vmem>>, vector<16xi32>,
      %mul3A_36 = arith.constant 16 : i32
      %mul3A_37 = arith.muli %add3A_32, %mul3A_36 : i32
      %get3A_38 = arith.index_cast %mul3A_37 : i32 to index
      %get3A_39 = tpu.vector_load %arg15[%get3A_38] {strides = array<i32>} : memref<2560xi32, #tpu.memory_space<vmem>>, vector<16xi32>,
      %gather3A = tpu.vector_load_idx %arg13[%get3A_35, %get3A_39] : memref<40x1280xf32, #tpu.memory_space<vmem>>[vector<16xi32>, vector<16xi32>], vector<16xf32>,
      %mul3A_40 = arith.constant 16 : i32
      %mul3A_41 = arith.muli %add3A_32, %mul3A_40 : i32
      %swap3A = arith.index_cast %mul3A_41 : i32 to index
      %swap3A_42 = tpu.vector_load %arg16[%swap3A] {strides = array<i32>} : memref<2560xf32, #tpu.memory_space<vmem>>, vector<16xf32>,
      tpu.vector_store %arg16[%swap3A], %gather3A {strides = array<i32>} : memref<2560xf32, #tpu.memory_space<vmem>>, vector<16xf32>,
      %add3A_43 = arith.constant 1 : i32
      %add3A_44 = vector.broadcast %add3A_43 : i32 to vector<16xi32>
      %add3A_45 = arith.addi %get3A_39, %add3A_44 : vector<16xi32>
      %gather3A_46 = tpu.vector_load_idx %arg13[%get3A_35, %add3A_45] : memref<40x1280xf32, #tpu.memory_space<vmem>>[vector<16xi32>, vector<16xi32>], vector<16xf32>,
      %mul3A_47 = arith.constant 16 : i32
      %mul3A_48 = arith.muli %add3A_32, %mul3A_47 : i32
      %swap3A_49 = arith.index_cast %mul3A_48 : i32 to index
      %swap3A_50 = tpu.vector_load %arg17[%swap3A_49] {strides = array<i32>} : memref<2560xf32, #tpu.memory_space<vmem>>, vector<16xf32>,
      tpu.vector_store %arg17[%swap3A_49], %gather3A_46 {strides = array<i32>} : memref<2560xf32, #tpu.memory_space<vmem>>, vector<16xf32>,
    }
    %scan3A_14 = arith.constant 160 : i32
    %lt3A = arith.constant 20 : i32
    %lt3A_15 = arith.cmpi slt, %add3A, %lt3A : i32
    %convert_element_type3A = arith.extui %lt3A_15 : i1 to i32
    %cond3A = arith.constant 0 : i32
    %cond3A_16 = arith.cmpi ne, %convert_element_type3A, %cond3A : i32
    scf.if %cond3A_16 {
      %mul3A_28 = arith.constant 2560 : i32
      %mul3A_29 = arith.muli %add3A, %mul3A_28 : i32
      "tpu.region"() ({
        %run_scoped3A = tpu.sem_alloc : memref<!tpu.dma_semaphore, #tpu.memory_space<semaphore_mem>>
        %dma_start3A_32 = tpu.memref_slice %arg6[%mul3A_29] : memref<51200xf32, #tpu.memory_space<hbm>> -> memref<2560xf32, #tpu.memory_space<hbm>>
        %dma_start3A_33 = tpu.memref_slice %arg6[%mul3A_29] : memref<51200xf32, #tpu.memory_space<hbm>> -> memref<2560xf32, #tpu.memory_space<hbm>>
        tpu.enqueue_dma source(%arg16 : memref<2560xf32, #tpu.memory_space<vmem>>) target(%dma_start3A_33 : memref<2560xf32, #tpu.memory_space<hbm>>) target_semaphore(%run_scoped3A : memref<!tpu.dma_semaphore, #tpu.memory_space<semaphore_mem>>)
        %dma_wait3A_34 = tpu.memref_slice %arg6[%mul3A_29] : memref<51200xf32, #tpu.memory_space<hbm>> -> memref<2560xf32, #tpu.memory_space<hbm>>
        %dma_wait3A_35 = tpu.memref_slice %arg6[%mul3A_29] : memref<51200xf32, #tpu.memory_space<hbm>> -> memref<2560xf32, #tpu.memory_space<hbm>>
        tpu.wait_dma2 semaphore(%run_scoped3A : memref<!tpu.dma_semaphore, #tpu.memory_space<semaphore_mem>>) src(%arg16 : memref<2560xf32, #tpu.memory_space<vmem>>) dst(%dma_wait3A_35 : memref<2560xf32, #tpu.memory_space<hbm>>)
        tpu.yield
      }) : () -> ()
      %mul3A_30 = arith.constant 2560 : i32
      %mul3A_31 = arith.muli %add3A, %mul3A_30 : i32
      "tpu.region"() ({
        %run_scoped3A = tpu.sem_alloc : memref<!tpu.dma_semaphore, #tpu.memory_space<semaphore_mem>>
        %dma_start3A_32 = tpu.memref_slice %arg7[%mul3A_31] : memref<51200xf32, #tpu.memory_space<hbm>> -> memref<2560xf32, #tpu.memory_space<hbm>>
        %dma_start3A_33 = tpu.memref_slice %arg7[%mul3A_31] : memref<51200xf32, #tpu.memory_space<hbm>> -> memref<2560xf32, #tpu.memory_space<hbm>>
        tpu.enqueue_dma source(%arg17 : memref<2560xf32, #tpu.memory_space<vmem>>) target(%dma_start3A_33 : memref<2560xf32, #tpu.memory_space<hbm>>) target_semaphore(%run_scoped3A : memref<!tpu.dma_semaphore, #tpu.memory_space<semaphore_mem>>)
        %dma_wait3A_34 = tpu.memref_slice %arg7[%mul3A_31] : memref<51200xf32, #tpu.memory_space<hbm>> -> memref<2560xf32, #tpu.memory_space<hbm>>
        %dma_wait3A_35 = tpu.memref_slice %arg7[%mul3A_31] : memref<51200xf32, #tpu.memory_space<hbm>> -> memref<2560xf32, #tpu.memory_space<hbm>>
        tpu.wait_dma2 semaphore(%run_scoped3A : memref<!tpu.dma_semaphore, #tpu.memory_space<semaphore_mem>>) src(%arg17 : memref<2560xf32, #tpu.memory_space<vmem>>) dst(%dma_wait3A_35 : memref<2560xf32, #tpu.memory_space<hbm>>)
        tpu.yield
      }) : () -> ()
    } else {
    }
    %ge3A = arith.constant 20 : i32
    %ge3A_17 = arith.cmpi sge, %add3A, %ge3A : i32
    %lt3A_18 = arith.constant 28 : i32
    %lt3A_19 = arith.cmpi slt, %add3A, %lt3A_18 : i32
    %and3A = arith.andi %ge3A_17, %lt3A_19 : i1
    %convert_element_type3A_20 = arith.extui %and3A : i1 to i32
    %cond3A_21 = arith.constant 0 : i32
    %cond3A_22 = arith.cmpi ne, %convert_element_type3A_20, %cond3A_21 : i32
    scf.if %cond3A_22 {
      %sub3A = arith.constant 20 : i32
      %sub3A_28 = arith.subi %add3A, %sub3A : i32
      %mul3A_29 = arith.constant 1600 : i32
      %mul3A_30 = arith.muli %sub3A_28, %mul3A_29 : i32
      "tpu.region"() ({
        %run_scoped3A = tpu.sem_alloc : memref<!tpu.dma_semaphore, #tpu.memory_space<semaphore_mem>>
        %dma_start3A_35 = arith.constant 0 : i32
        %dma_start3A_36 = tpu.memref_slice %arg16[%dma_start3A_35] : memref<2560xf32, #tpu.memory_space<vmem>> -> memref<1600xf32, #tpu.memory_space<vmem>>
        %dma_start3A_37 = tpu.memref_slice %arg8[%mul3A_30] : memref<12800xf32, #tpu.memory_space<hbm>> -> memref<1600xf32, #tpu.memory_space<hbm>>
        %dma_start3A_38 = tpu.memref_slice %arg8[%mul3A_30] : memref<12800xf32, #tpu.memory_space<hbm>> -> memref<1600xf32, #tpu.memory_space<hbm>>
        %dma_start3A_39 = arith.constant 0 : i32
        %dma_start3A_40 = tpu.memref_slice %arg16[%dma_start3A_39] : memref<2560xf32, #tpu.memory_space<vmem>> -> memref<1600xf32, #tpu.memory_space<vmem>>
        tpu.enqueue_dma source(%dma_start3A_40 : memref<1600xf32, #tpu.memory_space<vmem>>) target(%dma_start3A_38 : memref<1600xf32, #tpu.memory_space<hbm>>) target_semaphore(%run_scoped3A : memref<!tpu.dma_semaphore, #tpu.memory_space<semaphore_mem>>)
        %dma_wait3A_41 = arith.constant 0 : i32
        %dma_wait3A_42 = tpu.memref_slice %arg16[%dma_wait3A_41] : memref<2560xf32, #tpu.memory_space<vmem>> -> memref<1600xf32, #tpu.memory_space<vmem>>
        %dma_wait3A_43 = tpu.memref_slice %arg8[%mul3A_30] : memref<12800xf32, #tpu.memory_space<hbm>> -> memref<1600xf32, #tpu.memory_space<hbm>>
        %dma_wait3A_44 = tpu.memref_slice %arg8[%mul3A_30] : memref<12800xf32, #tpu.memory_space<hbm>> -> memref<1600xf32, #tpu.memory_space<hbm>>
        %dma_wait3A_45 = arith.constant 0 : i32
        %dma_wait3A_46 = tpu.memref_slice %arg16[%dma_wait3A_45] : memref<2560xf32, #tpu.memory_space<vmem>> -> memref<1600xf32, #tpu.memory_space<vmem>>
        tpu.wait_dma2 semaphore(%run_scoped3A : memref<!tpu.dma_semaphore, #tpu.memory_space<semaphore_mem>>) src(%dma_wait3A_46 : memref<1600xf32, #tpu.memory_space<vmem>>) dst(%dma_wait3A_44 : memref<1600xf32, #tpu.memory_space<hbm>>)
        tpu.yield
      }) : () -> ()
      %sub3A_31 = arith.constant 20 : i32
      %sub3A_32 = arith.subi %add3A, %sub3A_31 : i32
      %mul3A_33 = arith.constant 1600 : i32
      %mul3A_34 = arith.muli %sub3A_32, %mul3A_33 : i32
      "tpu.region"() ({
        %run_scoped3A = tpu.sem_alloc : memref<!tpu.dma_semaphore, #tpu.memory_space<semaphore_mem>>
        %dma_start3A_35 = arith.constant 0 : i32
        %dma_start3A_36 = tpu.memref_slice %arg17[%dma_start3A_35] : memref<2560xf32, #tpu.memory_space<vmem>> -> memref<1600xf32, #tpu.memory_space<vmem>>
        %dma_start3A_37 = tpu.memref_slice %arg9[%mul3A_34] : memref<12800xf32, #tpu.memory_space<hbm>> -> memref<1600xf32, #tpu.memory_space<hbm>>
        %dma_start3A_38 = tpu.memref_slice %arg9[%mul3A_34] : memref<12800xf32, #tpu.memory_space<hbm>> -> memref<1600xf32, #tpu.memory_space<hbm>>
        %dma_start3A_39 = arith.constant 0 : i32
        %dma_start3A_40 = tpu.memref_slice %arg17[%dma_start3A_39] : memref<2560xf32, #tpu.memory_space<vmem>> -> memref<1600xf32, #tpu.memory_space<vmem>>
        tpu.enqueue_dma source(%dma_start3A_40 : memref<1600xf32, #tpu.memory_space<vmem>>) target(%dma_start3A_38 : memref<1600xf32, #tpu.memory_space<hbm>>) target_semaphore(%run_scoped3A : memref<!tpu.dma_semaphore, #tpu.memory_space<semaphore_mem>>)
        %dma_wait3A_41 = arith.constant 0 : i32
        %dma_wait3A_42 = tpu.memref_slice %arg17[%dma_wait3A_41] : memref<2560xf32, #tpu.memory_space<vmem>> -> memref<1600xf32, #tpu.memory_space<vmem>>
        %dma_wait3A_43 = tpu.memref_slice %arg9[%mul3A_34] : memref<12800xf32, #tpu.memory_space<hbm>> -> memref<1600xf32, #tpu.memory_space<hbm>>
        %dma_wait3A_44 = tpu.memref_slice %arg9[%mul3A_34] : memref<12800xf32, #tpu.memory_space<hbm>> -> memref<1600xf32, #tpu.memory_space<hbm>>
        %dma_wait3A_45 = arith.constant 0 : i32
        %dma_wait3A_46 = tpu.memref_slice %arg17[%dma_wait3A_45] : memref<2560xf32, #tpu.memory_space<vmem>> -> memref<1600xf32, #tpu.memory_space<vmem>>
        tpu.wait_dma2 semaphore(%run_scoped3A : memref<!tpu.dma_semaphore, #tpu.memory_space<semaphore_mem>>) src(%dma_wait3A_46 : memref<1600xf32, #tpu.memory_space<vmem>>) dst(%dma_wait3A_44 : memref<1600xf32, #tpu.memory_space<hbm>>)
        tpu.yield
      }) : () -> ()
    } else {
    }
    %ge3A_23 = arith.constant 28 : i32
    %ge3A_24 = arith.cmpi sge, %add3A, %ge3A_23 : i32
    %convert_element_type3A_25 = arith.extui %ge3A_24 : i1 to i32
    %cond3A_26 = arith.constant 0 : i32
    %cond3A_27 = arith.cmpi ne, %convert_element_type3A_25, %cond3A_26 : i32
    scf.if %cond3A_27 {
      %sub3A = arith.constant 28 : i32
      %sub3A_28 = arith.subi %add3A, %sub3A : i32
      %mul3A_29 = arith.constant 800 : i32
      %mul3A_30 = arith.muli %sub3A_28, %mul3A_29 : i32
      "tpu.region"() ({
        %run_scoped3A = tpu.sem_alloc : memref<!tpu.dma_semaphore, #tpu.memory_space<semaphore_mem>>
        %dma_start3A_35 = arith.constant 0 : i32
        %dma_start3A_36 = tpu.memref_slice %arg16[%dma_start3A_35] : memref<2560xf32, #tpu.memory_space<vmem>> -> memref<800xf32, #tpu.memory_space<vmem>>
        %dma_start3A_37 = tpu.memref_slice %arg10[%mul3A_30] : memref<3200xf32, #tpu.memory_space<hbm>> -> memref<800xf32, #tpu.memory_space<hbm>>
        %dma_start3A_38 = tpu.memref_slice %arg10[%mul3A_30] : memref<3200xf32, #tpu.memory_space<hbm>> -> memref<800xf32, #tpu.memory_space<hbm>>
        %dma_start3A_39 = arith.constant 0 : i32
        %dma_start3A_40 = tpu.memref_slice %arg16[%dma_start3A_39] : memref<2560xf32, #tpu.memory_space<vmem>> -> memref<800xf32, #tpu.memory_space<vmem>>
        tpu.enqueue_dma source(%dma_start3A_40 : memref<800xf32, #tpu.memory_space<vmem>>) target(%dma_start3A_38 : memref<800xf32, #tpu.memory_space<hbm>>) target_semaphore(%run_scoped3A : memref<!tpu.dma_semaphore, #tpu.memory_space<semaphore_mem>>)
        %dma_wait3A_41 = arith.constant 0 : i32
        %dma_wait3A_42 = tpu.memref_slice %arg16[%dma_wait3A_41] : memref<2560xf32, #tpu.memory_space<vmem>> -> memref<800xf32, #tpu.memory_space<vmem>>
        %dma_wait3A_43 = tpu.memref_slice %arg10[%mul3A_30] : memref<3200xf32, #tpu.memory_space<hbm>> -> memref<800xf32, #tpu.memory_space<hbm>>
        %dma_wait3A_44 = tpu.memref_slice %arg10[%mul3A_30] : memref<3200xf32, #tpu.memory_space<hbm>> -> memref<800xf32, #tpu.memory_space<hbm>>
        %dma_wait3A_45 = arith.constant 0 : i32
        %dma_wait3A_46 = tpu.memref_slice %arg16[%dma_wait3A_45] : memref<2560xf32, #tpu.memory_space<vmem>> -> memref<800xf32, #tpu.memory_space<vmem>>
        tpu.wait_dma2 semaphore(%run_scoped3A : memref<!tpu.dma_semaphore, #tpu.memory_space<semaphore_mem>>) src(%dma_wait3A_46 : memref<800xf32, #tpu.memory_space<vmem>>) dst(%dma_wait3A_44 : memref<800xf32, #tpu.memory_space<hbm>>)
        tpu.yield
      }) : () -> ()
      %sub3A_31 = arith.constant 28 : i32
      %sub3A_32 = arith.subi %add3A, %sub3A_31 : i32
      %mul3A_33 = arith.constant 800 : i32
      %mul3A_34 = arith.muli %sub3A_32, %mul3A_33 : i32
      "tpu.region"() ({
        %run_scoped3A = tpu.sem_alloc : memref<!tpu.dma_semaphore, #tpu.memory_space<semaphore_mem>>
        %dma_start3A_35 = arith.constant 0 : i32
        %dma_start3A_36 = tpu.memref_slice %arg17[%dma_start3A_35] : memref<2560xf32, #tpu.memory_space<vmem>> -> memref<800xf32, #tpu.memory_space<vmem>>
        %dma_start3A_37 = tpu.memref_slice %arg11[%mul3A_34] : memref<3200xf32, #tpu.memory_space<hbm>> -> memref<800xf32, #tpu.memory_space<hbm>>
        %dma_start3A_38 = tpu.memref_slice %arg11[%mul3A_34] : memref<3200xf32, #tpu.memory_space<hbm>> -> memref<800xf32, #tpu.memory_space<hbm>>
        %dma_start3A_39 = arith.constant 0 : i32
        %dma_start3A_40 = tpu.memref_slice %arg17[%dma_start3A_39] : memref<2560xf32, #tpu.memory_space<vmem>> -> memref<800xf32, #tpu.memory_space<vmem>>
        tpu.enqueue_dma source(%dma_start3A_40 : memref<800xf32, #tpu.memory_space<vmem>>) target(%dma_start3A_38 : memref<800xf32, #tpu.memory_space<hbm>>) target_semaphore(%run_scoped3A : memref<!tpu.dma_semaphore, #tpu.memory_space<semaphore_mem>>)
        %dma_wait3A_41 = arith.constant 0 : i32
        %dma_wait3A_42 = tpu.memref_slice %arg17[%dma_wait3A_41] : memref<2560xf32, #tpu.memory_space<vmem>> -> memref<800xf32, #tpu.memory_space<vmem>>
        %dma_wait3A_43 = tpu.memref_slice %arg11[%mul3A_34] : memref<3200xf32, #tpu.memory_space<hbm>> -> memref<800xf32, #tpu.memory_space<hbm>>
        %dma_wait3A_44 = tpu.memref_slice %arg11[%mul3A_34] : memref<3200xf32, #tpu.memory_space<hbm>> -> memref<800xf32, #tpu.memory_space<hbm>>
        %dma_wait3A_45 = arith.constant 0 : i32
        %dma_wait3A_46 = tpu.memref_slice %arg17[%dma_wait3A_45] : memref<2560xf32, #tpu.memory_space<vmem>> -> memref<800xf32, #tpu.memory_space<vmem>>
        tpu.wait_dma2 semaphore(%run_scoped3A : memref<!tpu.dma_semaphore, #tpu.memory_space<semaphore_mem>>) src(%dma_wait3A_46 : memref<800xf32, #tpu.memory_space<vmem>>) dst(%dma_wait3A_44 : memref<800xf32, #tpu.memory_space<hbm>>)
        tpu.yield
      }) : () -> ()
    } else {
    }
    return
  }
}

module attributes {stable_mosaic.version = 14 : i64} {
  func.func @_loss_kernel(%arg0: i32, %arg1: memref<1x60x5xf32, #tpu.memory_space<vmem>>, %arg2: memref<1x8400x86xf32, #tpu.memory_space<vmem>>, %arg3: memref<2x8400xf32, #tpu.memory_space<vmem>>, %arg4: memref<1x8400xf32, #tpu.memory_space<vmem>>, %arg5: memref<1x1x6400xf32, #tpu.memory_space<vmem>>, %arg6: memref<1x1x6400xf32, #tpu.memory_space<vmem>>, %arg7: memref<1x1x1600xf32, #tpu.memory_space<vmem>>, %arg8: memref<1x1x1600xf32, #tpu.memory_space<vmem>>, %arg9: memref<1x1x400xf32, #tpu.memory_space<vmem>>, %arg10: memref<1x1x400xf32, #tpu.memory_space<vmem>>, %arg11: memref<1x1x128xf32, #tpu.memory_space<vmem>>) attributes {dimension_semantics = [#tpu.dimension_semantics<arbitrary>], iteration_bounds = array<i64: 8>, scalar_prefetch = 0 : i64, scratch_operands = 0 : i64, tpu.core_type = #tpu.core_type<tc>, window_params = [{transform_indices = @transform_0, window_bounds = array<i64: 1, 60, 5>}, {transform_indices = @transform_1, window_bounds = array<i64: 1, 8400, 86>}, {pipeline_mode = #tpu.pipeline_mode<synchronous>, transform_indices = @transform_2, window_bounds = array<i64: 2, 8400>}, {pipeline_mode = #tpu.pipeline_mode<synchronous>, transform_indices = @transform_3, window_bounds = array<i64: 1, 8400>}, {transform_indices = @transform_4, window_bounds = array<i64: 1, 1, 6400>}, {transform_indices = @transform_5, window_bounds = array<i64: 1, 1, 6400>}, {transform_indices = @transform_6, window_bounds = array<i64: 1, 1, 1600>}, {transform_indices = @transform_7, window_bounds = array<i64: 1, 1, 1600>}, {transform_indices = @transform_8, window_bounds = array<i64: 1, 1, 400>}, {transform_indices = @transform_9, window_bounds = array<i64: 1, 1, 400>}, {transform_indices = @transform_10, window_bounds = array<i64: 1, 1, 128>}]} {
    %get3A = arith.constant 0 : index
    %get3A_0 = arith.constant 0 : index
    %get3A_1 = arith.constant 0 : index
    %get3A_2 = vector.load %arg1[%get3A, %get3A_0, %get3A_1] : memref<1x60x5xf32, #tpu.memory_space<vmem>>, vector<1x60x5xf32>
    %get3A_3 = vector.shape_cast %get3A_2 : vector<1x60x5xf32> to vector<60x5xf32>
    %slice3A = vector.extract_strided_slice %get3A_3 {offsets = [0, 0], sizes = [60, 1], strides = [1, 1]} : vector<60x5xf32> to vector<60x1xf32>
    %slice3A_4 = vector.extract_strided_slice %get3A_3 {offsets = [0, 1], sizes = [60, 1], strides = [1, 1]} : vector<60x5xf32> to vector<60x1xf32>
    %slice3A_5 = vector.extract_strided_slice %get3A_3 {offsets = [0, 2], sizes = [60, 1], strides = [1, 1]} : vector<60x5xf32> to vector<60x1xf32>
    %slice3A_6 = vector.extract_strided_slice %get3A_3 {offsets = [0, 3], sizes = [60, 1], strides = [1, 1]} : vector<60x5xf32> to vector<60x1xf32>
    %slice3A_7 = vector.extract_strided_slice %get3A_3 {offsets = [0, 4], sizes = [60, 1], strides = [1, 1]} : vector<60x5xf32> to vector<60x1xf32>
    %gt3A = arith.constant 0.000000e+00 : f32
    %gt3A_8 = vector.broadcast %gt3A : f32 to vector<60x1xf32>
    %gt3A_9 = arith.cmpf ogt, %slice3A, %gt3A_8 : vector<60x1xf32>
    %convert_element_type3A = arith.extui %gt3A_9 : vector<60x1xi1> to vector<60x1xi32>
    %convert_element_type3A_10 = arith.sitofp %convert_element_type3A : vector<60x1xi32> to vector<60x1xf32>
    %get3A_11 = arith.constant 0 : index
    %get3A_12 = arith.constant 0 : index
    %get3A_13 = arith.constant 0 : index
    %get3A_14 = vector.load %arg2[%get3A_11, %get3A_12, %get3A_13] : memref<1x8400x86xf32, #tpu.memory_space<vmem>>, vector<1x8400x86xf32>
    %get3A_15 = vector.shape_cast %get3A_14 : vector<1x8400x86xf32> to vector<8400x86xf32>
    %iota3A = tpu.iota {dimensions = array<i32: 0>} : vector<8x86xi32>
    %iota3A_16 = tpu.iota {dimensions = array<i32: 1>} : vector<8x86xi32>
    %eq3A = arith.cmpi eq, %iota3A, %iota3A_16 : vector<8x86xi32>
    %convert_element_type3A_17 = arith.extui %eq3A : vector<8x86xi1> to vector<8x86xi32>
    %convert_element_type3A_18 = arith.sitofp %convert_element_type3A_17 : vector<8x86xi32> to vector<8x86xf32>
    %dot_general3A = arith.constant dense<0.000000e+00> : vector<8x8400xf32>
    %dot_general3A_19 = tpu.matmul %convert_element_type3A_18, %get3A_15, %dot_general3A {dimension_numbers = #tpu.dot_dimension_numbers<[1], [1], [0], [0], [0, 0, 1, 0], [], []>, precision = #tpu.contract_precision<fp32>, transpose_lhs_hint = false} : vector<8x86xf32>, vector<8400x86xf32>, vector<8x8400xf32> -> vector<8x8400xf32>
    %slice3A_20 = vector.extract_strided_slice %dot_general3A_19 {offsets = [0, 0], sizes = [1, 8400], strides = [1, 1]} : vector<8x8400xf32> to vector<1x8400xf32>
    %slice3A_21 = vector.extract_strided_slice %dot_general3A_19 {offsets = [1, 0], sizes = [1, 8400], strides = [1, 1]} : vector<8x8400xf32> to vector<1x8400xf32>
    %slice3A_22 = vector.extract_strided_slice %dot_general3A_19 {offsets = [2, 0], sizes = [1, 8400], strides = [1, 1]} : vector<8x8400xf32> to vector<1x8400xf32>
    %slice3A_23 = vector.extract_strided_slice %dot_general3A_19 {offsets = [3, 0], sizes = [1, 8400], strides = [1, 1]} : vector<8x8400xf32> to vector<1x8400xf32>
    %get3A_24 = arith.constant 0 : index
    %get3A_25 = arith.constant 0 : index
    %get3A_26 = vector.load %arg4[%get3A_24, %get3A_25] : memref<1x8400xf32, #tpu.memory_space<vmem>>, vector<1x8400xf32>
    %get3A_27 = arith.constant 0 : index
    %get3A_28 = arith.constant 0 : index
    %get3A_29 = vector.load %arg3[%get3A_27, %get3A_28] : memref<2x8400xf32, #tpu.memory_space<vmem>>, vector<1x8400xf32>
    %add3A = arith.constant 5.000000e-01 : f32
    %add3A_30 = vector.broadcast %add3A : f32 to vector<1x8400xf32>
    %add3A_31 = arith.addf %get3A_29, %add3A_30 : vector<1x8400xf32>
    %mul3A = arith.mulf %add3A_31, %get3A_26 : vector<1x8400xf32>
    %get3A_32 = arith.constant 1 : index
    %get3A_33 = arith.constant 0 : index
    %get3A_34 = vector.load %arg3[%get3A_32, %get3A_33] : memref<2x8400xf32, #tpu.memory_space<vmem>>, vector<1x8400xf32>
    %add3A_35 = arith.constant 5.000000e-01 : f32
    %add3A_36 = vector.broadcast %add3A_35 : f32 to vector<1x8400xf32>
    %add3A_37 = arith.addf %get3A_34, %add3A_36 : vector<1x8400xf32>
    %mul3A_38 = arith.mulf %add3A_37, %get3A_26 : vector<1x8400xf32>
    %mul3A_39 = arith.constant 2.500000e+00 : f32
    %mul3A_40 = vector.broadcast %mul3A_39 : f32 to vector<1x8400xf32>
    %mul3A_41 = arith.mulf %mul3A_40, %get3A_26 : vector<1x8400xf32>
    %mul3A_42 = arith.constant 5.000000e-01 : f32
    %mul3A_43 = vector.broadcast %mul3A_42 : f32 to vector<60x1xf32>
    %mul3A_44 = arith.mulf %slice3A_6, %mul3A_43 : vector<60x1xf32>
    %sub3A = arith.subf %slice3A_4, %mul3A_44 : vector<60x1xf32>
    %mul3A_45 = arith.constant 5.000000e-01 : f32
    %mul3A_46 = vector.broadcast %mul3A_45 : f32 to vector<60x1xf32>
    %mul3A_47 = arith.mulf %slice3A_6, %mul3A_46 : vector<60x1xf32>
    %add3A_48 = arith.addf %slice3A_4, %mul3A_47 : vector<60x1xf32>
    %mul3A_49 = arith.constant 5.000000e-01 : f32
    %mul3A_50 = vector.broadcast %mul3A_49 : f32 to vector<60x1xf32>
    %mul3A_51 = arith.mulf %slice3A_7, %mul3A_50 : vector<60x1xf32>
    %sub3A_52 = arith.subf %slice3A_5, %mul3A_51 : vector<60x1xf32>
    %mul3A_53 = arith.constant 5.000000e-01 : f32
    %mul3A_54 = vector.broadcast %mul3A_53 : f32 to vector<60x1xf32>
    %mul3A_55 = arith.mulf %slice3A_7, %mul3A_54 : vector<60x1xf32>
    %add3A_56 = arith.addf %slice3A_5, %mul3A_55 : vector<60x1xf32>
    %mul3A_57 = arith.constant 5.000000e-01 : f32
    %mul3A_58 = vector.broadcast %mul3A_57 : f32 to vector<1x8400xf32>
    %mul3A_59 = arith.mulf %slice3A_22, %mul3A_58 : vector<1x8400xf32>
    %sub3A_60 = arith.subf %slice3A_20, %mul3A_59 : vector<1x8400xf32>
    %mul3A_61 = arith.constant 5.000000e-01 : f32
    %mul3A_62 = vector.broadcast %mul3A_61 : f32 to vector<1x8400xf32>
    %mul3A_63 = arith.mulf %slice3A_22, %mul3A_62 : vector<1x8400xf32>
    %add3A_64 = arith.addf %slice3A_20, %mul3A_63 : vector<1x8400xf32>
    %mul3A_65 = arith.constant 5.000000e-01 : f32
    %mul3A_66 = vector.broadcast %mul3A_65 : f32 to vector<1x8400xf32>
    %mul3A_67 = arith.mulf %slice3A_23, %mul3A_66 : vector<1x8400xf32>
    %sub3A_68 = arith.subf %slice3A_21, %mul3A_67 : vector<1x8400xf32>
    %mul3A_69 = arith.constant 5.000000e-01 : f32
    %mul3A_70 = vector.broadcast %mul3A_69 : f32 to vector<1x8400xf32>
    %mul3A_71 = arith.mulf %slice3A_23, %mul3A_70 : vector<1x8400xf32>
    %add3A_72 = arith.addf %slice3A_21, %mul3A_71 : vector<1x8400xf32>
    %min3A = vector.broadcast %add3A_48 : vector<60x1xf32> to vector<60x8400xf32>
    %min3A_73 = vector.broadcast %add3A_64 : vector<1x8400xf32> to vector<60x8400xf32>
    %min3A_74 = arith.minimumf %min3A, %min3A_73 : vector<60x8400xf32>
    %max3A = vector.broadcast %sub3A : vector<60x1xf32> to vector<60x8400xf32>
    %max3A_75 = vector.broadcast %sub3A_60 : vector<1x8400xf32> to vector<60x8400xf32>
    %max3A_76 = arith.maximumf %max3A, %max3A_75 : vector<60x8400xf32>
    %sub3A_77 = arith.subf %min3A_74, %max3A_76 : vector<60x8400xf32>
    %jit3A = arith.constant 0.000000e+00 : f32
    %max3A_78 = vector.broadcast %jit3A : f32 to vector<60x8400xf32>
    %max3A_79 = arith.maximumf %max3A_78, %sub3A_77 : vector<60x8400xf32>
    %min3A_80 = vector.broadcast %add3A_56 : vector<60x1xf32> to vector<60x8400xf32>
    %min3A_81 = vector.broadcast %add3A_72 : vector<1x8400xf32> to vector<60x8400xf32>
    %min3A_82 = arith.minimumf %min3A_80, %min3A_81 : vector<60x8400xf32>
    %max3A_83 = vector.broadcast %sub3A_52 : vector<60x1xf32> to vector<60x8400xf32>
    %max3A_84 = vector.broadcast %sub3A_68 : vector<1x8400xf32> to vector<60x8400xf32>
    %max3A_85 = arith.maximumf %max3A_83, %max3A_84 : vector<60x8400xf32>
    %sub3A_86 = arith.subf %min3A_82, %max3A_85 : vector<60x8400xf32>
    %jit3A_87 = arith.constant 0.000000e+00 : f32
    %max3A_88 = vector.broadcast %jit3A_87 : f32 to vector<60x8400xf32>
    %max3A_89 = arith.maximumf %max3A_88, %sub3A_86 : vector<60x8400xf32>
    %mul3A_90 = arith.mulf %max3A_79, %max3A_89 : vector<60x8400xf32>
    %mul3A_91 = arith.mulf %slice3A_6, %slice3A_7 : vector<60x1xf32>
    %mul3A_92 = arith.mulf %slice3A_22, %slice3A_23 : vector<1x8400xf32>
    %add3A_93 = vector.broadcast %mul3A_91 : vector<60x1xf32> to vector<60x8400xf32>
    %add3A_94 = vector.broadcast %mul3A_92 : vector<1x8400xf32> to vector<60x8400xf32>
    %add3A_95 = arith.addf %add3A_93, %add3A_94 : vector<60x8400xf32>
    %sub3A_96 = arith.subf %add3A_95, %mul3A_90 : vector<60x8400xf32>
    %add3A_97 = arith.constant 9.99999993E-9 : f32
    %add3A_98 = vector.broadcast %add3A_97 : f32 to vector<60x8400xf32>
    %add3A_99 = arith.addf %sub3A_96, %add3A_98 : vector<60x8400xf32>
    %div3A = arith.divf %mul3A_90, %add3A_99 : vector<60x8400xf32>
    %mul3A_100 = vector.broadcast %convert_element_type3A_10 : vector<60x1xf32> to vector<60x8400xf32>
    %mul3A_101 = arith.mulf %div3A, %mul3A_100 : vector<60x8400xf32>
    %ge3A = vector.broadcast %mul3A : vector<1x8400xf32> to vector<60x8400xf32>
    %ge3A_102 = vector.broadcast %sub3A : vector<60x1xf32> to vector<60x8400xf32>
    %ge3A_103 = arith.cmpf oge, %ge3A, %ge3A_102 : vector<60x8400xf32>
    %le3A = vector.broadcast %mul3A : vector<1x8400xf32> to vector<60x8400xf32>
    %le3A_104 = vector.broadcast %add3A_48 : vector<60x1xf32> to vector<60x8400xf32>
    %le3A_105 = arith.cmpf ole, %le3A, %le3A_104 : vector<60x8400xf32>
    %and3A = arith.andi %ge3A_103, %le3A_105 : vector<60x8400xi1>
    %ge3A_106 = vector.broadcast %mul3A_38 : vector<1x8400xf32> to vector<60x8400xf32>
    %ge3A_107 = vector.broadcast %sub3A_52 : vector<60x1xf32> to vector<60x8400xf32>
    %ge3A_108 = arith.cmpf oge, %ge3A_106, %ge3A_107 : vector<60x8400xf32>
    %and3A_109 = arith.andi %and3A, %ge3A_108 : vector<60x8400xi1>
    %le3A_110 = vector.broadcast %mul3A_38 : vector<1x8400xf32> to vector<60x8400xf32>
    %le3A_111 = vector.broadcast %add3A_56 : vector<60x1xf32> to vector<60x8400xf32>
    %le3A_112 = arith.cmpf ole, %le3A_110, %le3A_111 : vector<60x8400xf32>
    %and3A_113 = arith.andi %and3A_109, %le3A_112 : vector<60x8400xi1>
    %sub3A_114 = vector.broadcast %mul3A : vector<1x8400xf32> to vector<60x8400xf32>
    %sub3A_115 = vector.broadcast %slice3A_4 : vector<60x1xf32> to vector<60x8400xf32>
    %sub3A_116 = arith.subf %sub3A_114, %sub3A_115 : vector<60x8400xf32>
    %abs3A = math.absf %sub3A_116 : vector<60x8400xf32>
    %lt3A = vector.broadcast %mul3A_41 : vector<1x8400xf32> to vector<60x8400xf32>
    %lt3A_117 = arith.cmpf olt, %abs3A, %lt3A : vector<60x8400xf32>
    %sub3A_118 = vector.broadcast %mul3A_38 : vector<1x8400xf32> to vector<60x8400xf32>
    %sub3A_119 = vector.broadcast %slice3A_5 : vector<60x1xf32> to vector<60x8400xf32>
    %sub3A_120 = arith.subf %sub3A_118, %sub3A_119 : vector<60x8400xf32>
    %abs3A_121 = math.absf %sub3A_120 : vector<60x8400xf32>
    %lt3A_122 = vector.broadcast %mul3A_41 : vector<1x8400xf32> to vector<60x8400xf32>
    %lt3A_123 = arith.cmpf olt, %abs3A_121, %lt3A_122 : vector<60x8400xf32>
    %and3A_124 = arith.andi %lt3A_117, %lt3A_123 : vector<60x8400xi1>
    %or3A = arith.ori %and3A_113, %and3A_124 : vector<60x8400xi1>
    %convert_element_type3A_125 = arith.extui %or3A : vector<60x8400xi1> to vector<60x8400xi32>
    %convert_element_type3A_126 = arith.sitofp %convert_element_type3A_125 : vector<60x8400xi32> to vector<60x8400xf32>
    %sub3A_127 = arith.constant 1.000000e+00 : f32
    %sub3A_128 = vector.broadcast %sub3A_127 : f32 to vector<60x8400xf32>
    %sub3A_129 = arith.subf %sub3A_128, %convert_element_type3A_126 : vector<60x8400xf32>
    %mul3A_130 = arith.constant 1.000000e+05 : f32
    %mul3A_131 = vector.broadcast %mul3A_130 : f32 to vector<60x8400xf32>
    %mul3A_132 = arith.mulf %mul3A_131, %sub3A_129 : vector<60x8400xf32>
    %sub3A_133 = arith.constant 1.000000e+00 : f32
    %sub3A_134 = vector.broadcast %sub3A_133 : f32 to vector<60x1xf32>
    %sub3A_135 = arith.subf %sub3A_134, %convert_element_type3A_10 : vector<60x1xf32>
    %mul3A_136 = arith.constant 1.000000e+05 : f32
    %mul3A_137 = vector.broadcast %mul3A_136 : f32 to vector<60x1xf32>
    %mul3A_138 = arith.mulf %mul3A_137, %sub3A_135 : vector<60x1xf32>
    %add3A_139 = vector.broadcast %mul3A_138 : vector<60x1xf32> to vector<60x8400xf32>
    %add3A_140 = arith.addf %mul3A_132, %add3A_139 : vector<60x8400xf32>
    %sub3A_141 = arith.subf %add3A_140, %mul3A_101 : vector<60x8400xf32>
    %mul3A_142 = arith.mulf %mul3A_101, %convert_element_type3A_126 : vector<60x8400xf32>
    %iota3A_143 = tpu.iota {dimensions = array<i32: 1>} : vector<60x8400xi32>
    %convert_element_type3A_144 = arith.sitofp %iota3A_143 : vector<60x8400xi32> to vector<60x8400xf32>
    %broadcast_in_dim3A = arith.constant 0.000000e+00 : f32
    %broadcast_in_dim3A_145 = vector.broadcast %broadcast_in_dim3A : f32 to vector<60x1xf32>
    %reduce_min3A = arith.constant dense<0x7F800000> : vector<60xf32>
    %reduce_min3A_146 = vector.multi_reduction <minimumf>, %sub3A_141, %reduce_min3A [1] : vector<60x8400xf32> to vector<60xf32>
    %broadcast_in_dim3A_147 = vector.shape_cast %reduce_min3A_146 : vector<60xf32> to vector<60x1xf32>
    %eq3A_148 = vector.broadcast %broadcast_in_dim3A_147 : vector<60x1xf32> to vector<60x8400xf32>
    %eq3A_149 = arith.cmpf oeq, %sub3A_141, %eq3A_148 : vector<60x8400xf32>
    %jit3A_150 = arith.constant 1.000000e+09 : f32
    %broadcast_in_dim3A_151 = vector.broadcast %jit3A_150 : f32 to vector<60x8400xf32>
    %select_n3A = arith.select %eq3A_149, %convert_element_type3A_144, %broadcast_in_dim3A_151 : vector<60x8400xi1>, vector<60x8400xf32>
    %reduce_min3A_152 = arith.constant dense<0x7F800000> : vector<60xf32>
    %reduce_min3A_153 = vector.multi_reduction <minimumf>, %select_n3A, %reduce_min3A_152 [1] : vector<60x8400xf32> to vector<60xf32>
    %broadcast_in_dim3A_154 = vector.shape_cast %reduce_min3A_153 : vector<60xf32> to vector<60x1xf32>
    %eq3A_155 = vector.broadcast %broadcast_in_dim3A_154 : vector<60x1xf32> to vector<60x8400xf32>
    %eq3A_156 = arith.cmpf oeq, %convert_element_type3A_144, %eq3A_155 : vector<60x8400xf32>
    %and3A_157 = arith.andi %eq3A_149, %eq3A_156 : vector<60x8400xi1>
    %jit3A_158 = arith.constant 0.000000e+00 : f32
    %broadcast_in_dim3A_159 = vector.broadcast %jit3A_158 : f32 to vector<60x8400xf32>
    %select_n3A_160 = arith.select %and3A_157, %mul3A_142, %broadcast_in_dim3A_159 : vector<60x8400xi1>, vector<60x8400xf32>
    %reduce_sum3A = arith.constant dense<0.000000e+00> : vector<60xf32>
    %reduce_sum3A_161 = vector.multi_reduction <add>, %select_n3A_160, %reduce_sum3A [1] : vector<60x8400xf32> to vector<60xf32>
    %broadcast_in_dim3A_162 = vector.shape_cast %reduce_sum3A_161 : vector<60xf32> to vector<60x1xf32>
    %add3A_163 = arith.addf %broadcast_in_dim3A_145, %broadcast_in_dim3A_162 : vector<60x1xf32>
    %jit3A_164 = arith.constant 1.000000e+30 : f32
    %broadcast_in_dim3A_165 = vector.broadcast %jit3A_164 : f32 to vector<60x8400xf32>
    %select_n3A_166 = arith.select %and3A_157, %broadcast_in_dim3A_165, %sub3A_141 : vector<60x8400xi1>, vector<60x8400xf32>
    %reduce_min3A_167 = arith.constant dense<0x7F800000> : vector<60xf32>
    %reduce_min3A_168 = vector.multi_reduction <minimumf>, %select_n3A_166, %reduce_min3A_167 [1] : vector<60x8400xf32> to vector<60xf32>
    %broadcast_in_dim3A_169 = vector.shape_cast %reduce_min3A_168 : vector<60xf32> to vector<60x1xf32>
    %eq3A_170 = vector.broadcast %broadcast_in_dim3A_169 : vector<60x1xf32> to vector<60x8400xf32>
    %eq3A_171 = arith.cmpf oeq, %select_n3A_166, %eq3A_170 : vector<60x8400xf32>
    %jit3A_172 = arith.constant 1.000000e+09 : f32
    %broadcast_in_dim3A_173 = vector.broadcast %jit3A_172 : f32 to vector<60x8400xf32>
    %select_n3A_174 = arith.select %eq3A_171, %convert_element_type3A_144, %broadcast_in_dim3A_173 : vector<60x8400xi1>, vector<60x8400xf32>
    %reduce_min3A_175 = arith.constant dense<0x7F800000> : vector<60xf32>
    %reduce_min3A_176 = vector.multi_reduction <minimumf>, %select_n3A_174, %reduce_min3A_175 [1] : vector<60x8400xf32> to vector<60xf32>
    %broadcast_in_dim3A_177 = vector.shape_cast %reduce_min3A_176 : vector<60xf32> to vector<60x1xf32>
    %eq3A_178 = vector.broadcast %broadcast_in_dim3A_177 : vector<60x1xf32> to vector<60x8400xf32>
    %eq3A_179 = arith.cmpf oeq, %convert_element_type3A_144, %eq3A_178 : vector<60x8400xf32>
    %and3A_180 = arith.andi %eq3A_171, %eq3A_179 : vector<60x8400xi1>
    %jit3A_181 = arith.constant 0.000000e+00 : f32
    %broadcast_in_dim3A_182 = vector.broadcast %jit3A_181 : f32 to vector<60x8400xf32>
    %select_n3A_183 = arith.select %and3A_180, %mul3A_142, %broadcast_in_dim3A_182 : vector<60x8400xi1>, vector<60x8400xf32>
    %reduce_sum3A_184 = arith.constant dense<0.000000e+00> : vector<60xf32>
    %reduce_sum3A_185 = vector.multi_reduction <add>, %select_n3A_183, %reduce_sum3A_184 [1] : vector<60x8400xf32> to vector<60xf32>
    %broadcast_in_dim3A_186 = vector.shape_cast %reduce_sum3A_185 : vector<60xf32> to vector<60x1xf32>
    %add3A_187 = arith.addf %add3A_163, %broadcast_in_dim3A_186 : vector<60x1xf32>
    %jit3A_188 = arith.constant 1.000000e+30 : f32
    %broadcast_in_dim3A_189 = vector.broadcast %jit3A_188 : f32 to vector<60x8400xf32>
    %select_n3A_190 = arith.select %and3A_180, %broadcast_in_dim3A_189, %select_n3A_166 : vector<60x8400xi1>, vector<60x8400xf32>
    %reduce_min3A_191 = arith.constant dense<0x7F800000> : vector<60xf32>
    %reduce_min3A_192 = vector.multi_reduction <minimumf>, %select_n3A_190, %reduce_min3A_191 [1] : vector<60x8400xf32> to vector<60xf32>
    %broadcast_in_dim3A_193 = vector.shape_cast %reduce_min3A_192 : vector<60xf32> to vector<60x1xf32>
    %eq3A_194 = vector.broadcast %broadcast_in_dim3A_193 : vector<60x1xf32> to vector<60x8400xf32>
    %eq3A_195 = arith.cmpf oeq, %select_n3A_190, %eq3A_194 : vector<60x8400xf32>
    %jit3A_196 = arith.constant 1.000000e+09 : f32
    %broadcast_in_dim3A_197 = vector.broadcast %jit3A_196 : f32 to vector<60x8400xf32>
    %select_n3A_198 = arith.select %eq3A_195, %convert_element_type3A_144, %broadcast_in_dim3A_197 : vector<60x8400xi1>, vector<60x8400xf32>
    %reduce_min3A_199 = arith.constant dense<0x7F800000> : vector<60xf32>
    %reduce_min3A_200 = vector.multi_reduction <minimumf>, %select_n3A_198, %reduce_min3A_199 [1] : vector<60x8400xf32> to vector<60xf32>
    %broadcast_in_dim3A_201 = vector.shape_cast %reduce_min3A_200 : vector<60xf32> to vector<60x1xf32>
    %eq3A_202 = vector.broadcast %broadcast_in_dim3A_201 : vector<60x1xf32> to vector<60x8400xf32>
    %eq3A_203 = arith.cmpf oeq, %convert_element_type3A_144, %eq3A_202 : vector<60x8400xf32>
    %and3A_204 = arith.andi %eq3A_195, %eq3A_203 : vector<60x8400xi1>
    %jit3A_205 = arith.constant 0.000000e+00 : f32
    %broadcast_in_dim3A_206 = vector.broadcast %jit3A_205 : f32 to vector<60x8400xf32>
    %select_n3A_207 = arith.select %and3A_204, %mul3A_142, %broadcast_in_dim3A_206 : vector<60x8400xi1>, vector<60x8400xf32>
    %reduce_sum3A_208 = arith.constant dense<0.000000e+00> : vector<60xf32>
    %reduce_sum3A_209 = vector.multi_reduction <add>, %select_n3A_207, %reduce_sum3A_208 [1] : vector<60x8400xf32> to vector<60xf32>
    %broadcast_in_dim3A_210 = vector.shape_cast %reduce_sum3A_209 : vector<60xf32> to vector<60x1xf32>
    %add3A_211 = arith.addf %add3A_187, %broadcast_in_dim3A_210 : vector<60x1xf32>
    %jit3A_212 = arith.constant 1.000000e+30 : f32
    %broadcast_in_dim3A_213 = vector.broadcast %jit3A_212 : f32 to vector<60x8400xf32>
    %select_n3A_214 = arith.select %and3A_204, %broadcast_in_dim3A_213, %select_n3A_190 : vector<60x8400xi1>, vector<60x8400xf32>
    %reduce_min3A_215 = arith.constant dense<0x7F800000> : vector<60xf32>
    %reduce_min3A_216 = vector.multi_reduction <minimumf>, %select_n3A_214, %reduce_min3A_215 [1] : vector<60x8400xf32> to vector<60xf32>
    %broadcast_in_dim3A_217 = vector.shape_cast %reduce_min3A_216 : vector<60xf32> to vector<60x1xf32>
    %eq3A_218 = vector.broadcast %broadcast_in_dim3A_217 : vector<60x1xf32> to vector<60x8400xf32>
    %eq3A_219 = arith.cmpf oeq, %select_n3A_214, %eq3A_218 : vector<60x8400xf32>
    %jit3A_220 = arith.constant 1.000000e+09 : f32
    %broadcast_in_dim3A_221 = vector.broadcast %jit3A_220 : f32 to vector<60x8400xf32>
    %select_n3A_222 = arith.select %eq3A_219, %convert_element_type3A_144, %broadcast_in_dim3A_221 : vector<60x8400xi1>, vector<60x8400xf32>
    %reduce_min3A_223 = arith.constant dense<0x7F800000> : vector<60xf32>
    %reduce_min3A_224 = vector.multi_reduction <minimumf>, %select_n3A_222, %reduce_min3A_223 [1] : vector<60x8400xf32> to vector<60xf32>
    %broadcast_in_dim3A_225 = vector.shape_cast %reduce_min3A_224 : vector<60xf32> to vector<60x1xf32>
    %eq3A_226 = vector.broadcast %broadcast_in_dim3A_225 : vector<60x1xf32> to vector<60x8400xf32>
    %eq3A_227 = arith.cmpf oeq, %convert_element_type3A_144, %eq3A_226 : vector<60x8400xf32>
    %and3A_228 = arith.andi %eq3A_219, %eq3A_227 : vector<60x8400xi1>
    %jit3A_229 = arith.constant 0.000000e+00 : f32
    %broadcast_in_dim3A_230 = vector.broadcast %jit3A_229 : f32 to vector<60x8400xf32>
    %select_n3A_231 = arith.select %and3A_228, %mul3A_142, %broadcast_in_dim3A_230 : vector<60x8400xi1>, vector<60x8400xf32>
    %reduce_sum3A_232 = arith.constant dense<0.000000e+00> : vector<60xf32>
    %reduce_sum3A_233 = vector.multi_reduction <add>, %select_n3A_231, %reduce_sum3A_232 [1] : vector<60x8400xf32> to vector<60xf32>
    %broadcast_in_dim3A_234 = vector.shape_cast %reduce_sum3A_233 : vector<60xf32> to vector<60x1xf32>
    %add3A_235 = arith.addf %add3A_211, %broadcast_in_dim3A_234 : vector<60x1xf32>
    %jit3A_236 = arith.constant 1.000000e+30 : f32
    %broadcast_in_dim3A_237 = vector.broadcast %jit3A_236 : f32 to vector<60x8400xf32>
    %select_n3A_238 = arith.select %and3A_228, %broadcast_in_dim3A_237, %select_n3A_214 : vector<60x8400xi1>, vector<60x8400xf32>
    %reduce_min3A_239 = arith.constant dense<0x7F800000> : vector<60xf32>
    %reduce_min3A_240 = vector.multi_reduction <minimumf>, %select_n3A_238, %reduce_min3A_239 [1] : vector<60x8400xf32> to vector<60xf32>
    %broadcast_in_dim3A_241 = vector.shape_cast %reduce_min3A_240 : vector<60xf32> to vector<60x1xf32>
    %eq3A_242 = vector.broadcast %broadcast_in_dim3A_241 : vector<60x1xf32> to vector<60x8400xf32>
    %eq3A_243 = arith.cmpf oeq, %select_n3A_238, %eq3A_242 : vector<60x8400xf32>
    %jit3A_244 = arith.constant 1.000000e+09 : f32
    %broadcast_in_dim3A_245 = vector.broadcast %jit3A_244 : f32 to vector<60x8400xf32>
    %select_n3A_246 = arith.select %eq3A_243, %convert_element_type3A_144, %broadcast_in_dim3A_245 : vector<60x8400xi1>, vector<60x8400xf32>
    %reduce_min3A_247 = arith.constant dense<0x7F800000> : vector<60xf32>
    %reduce_min3A_248 = vector.multi_reduction <minimumf>, %select_n3A_246, %reduce_min3A_247 [1] : vector<60x8400xf32> to vector<60xf32>
    %broadcast_in_dim3A_249 = vector.shape_cast %reduce_min3A_248 : vector<60xf32> to vector<60x1xf32>
    %eq3A_250 = vector.broadcast %broadcast_in_dim3A_249 : vector<60x1xf32> to vector<60x8400xf32>
    %eq3A_251 = arith.cmpf oeq, %convert_element_type3A_144, %eq3A_250 : vector<60x8400xf32>
    %and3A_252 = arith.andi %eq3A_243, %eq3A_251 : vector<60x8400xi1>
    %jit3A_253 = arith.constant 0.000000e+00 : f32
    %broadcast_in_dim3A_254 = vector.broadcast %jit3A_253 : f32 to vector<60x8400xf32>
    %select_n3A_255 = arith.select %and3A_252, %mul3A_142, %broadcast_in_dim3A_254 : vector<60x8400xi1>, vector<60x8400xf32>
    %reduce_sum3A_256 = arith.constant dense<0.000000e+00> : vector<60xf32>
    %reduce_sum3A_257 = vector.multi_reduction <add>, %select_n3A_255, %reduce_sum3A_256 [1] : vector<60x8400xf32> to vector<60xf32>
    %broadcast_in_dim3A_258 = vector.shape_cast %reduce_sum3A_257 : vector<60xf32> to vector<60x1xf32>
    %add3A_259 = arith.addf %add3A_235, %broadcast_in_dim3A_258 : vector<60x1xf32>
    %jit3A_260 = arith.constant 1.000000e+30 : f32
    %broadcast_in_dim3A_261 = vector.broadcast %jit3A_260 : f32 to vector<60x8400xf32>
    %select_n3A_262 = arith.select %and3A_252, %broadcast_in_dim3A_261, %select_n3A_238 : vector<60x8400xi1>, vector<60x8400xf32>
    %reduce_min3A_263 = arith.constant dense<0x7F800000> : vector<60xf32>
    %reduce_min3A_264 = vector.multi_reduction <minimumf>, %select_n3A_262, %reduce_min3A_263 [1] : vector<60x8400xf32> to vector<60xf32>
    %broadcast_in_dim3A_265 = vector.shape_cast %reduce_min3A_264 : vector<60xf32> to vector<60x1xf32>
    %eq3A_266 = vector.broadcast %broadcast_in_dim3A_265 : vector<60x1xf32> to vector<60x8400xf32>
    %eq3A_267 = arith.cmpf oeq, %select_n3A_262, %eq3A_266 : vector<60x8400xf32>
    %jit3A_268 = arith.constant 1.000000e+09 : f32
    %broadcast_in_dim3A_269 = vector.broadcast %jit3A_268 : f32 to vector<60x8400xf32>
    %select_n3A_270 = arith.select %eq3A_267, %convert_element_type3A_144, %broadcast_in_dim3A_269 : vector<60x8400xi1>, vector<60x8400xf32>
    %reduce_min3A_271 = arith.constant dense<0x7F800000> : vector<60xf32>
    %reduce_min3A_272 = vector.multi_reduction <minimumf>, %select_n3A_270, %reduce_min3A_271 [1] : vector<60x8400xf32> to vector<60xf32>
    %broadcast_in_dim3A_273 = vector.shape_cast %reduce_min3A_272 : vector<60xf32> to vector<60x1xf32>
    %eq3A_274 = vector.broadcast %broadcast_in_dim3A_273 : vector<60x1xf32> to vector<60x8400xf32>
    %eq3A_275 = arith.cmpf oeq, %convert_element_type3A_144, %eq3A_274 : vector<60x8400xf32>
    %and3A_276 = arith.andi %eq3A_267, %eq3A_275 : vector<60x8400xi1>
    %jit3A_277 = arith.constant 0.000000e+00 : f32
    %broadcast_in_dim3A_278 = vector.broadcast %jit3A_277 : f32 to vector<60x8400xf32>
    %select_n3A_279 = arith.select %and3A_276, %mul3A_142, %broadcast_in_dim3A_278 : vector<60x8400xi1>, vector<60x8400xf32>
    %reduce_sum3A_280 = arith.constant dense<0.000000e+00> : vector<60xf32>
    %reduce_sum3A_281 = vector.multi_reduction <add>, %select_n3A_279, %reduce_sum3A_280 [1] : vector<60x8400xf32> to vector<60xf32>
    %broadcast_in_dim3A_282 = vector.shape_cast %reduce_sum3A_281 : vector<60xf32> to vector<60x1xf32>
    %add3A_283 = arith.addf %add3A_259, %broadcast_in_dim3A_282 : vector<60x1xf32>
    %jit3A_284 = arith.constant 1.000000e+30 : f32
    %broadcast_in_dim3A_285 = vector.broadcast %jit3A_284 : f32 to vector<60x8400xf32>
    %select_n3A_286 = arith.select %and3A_276, %broadcast_in_dim3A_285, %select_n3A_262 : vector<60x8400xi1>, vector<60x8400xf32>
    %reduce_min3A_287 = arith.constant dense<0x7F800000> : vector<60xf32>
    %reduce_min3A_288 = vector.multi_reduction <minimumf>, %select_n3A_286, %reduce_min3A_287 [1] : vector<60x8400xf32> to vector<60xf32>
    %broadcast_in_dim3A_289 = vector.shape_cast %reduce_min3A_288 : vector<60xf32> to vector<60x1xf32>
    %eq3A_290 = vector.broadcast %broadcast_in_dim3A_289 : vector<60x1xf32> to vector<60x8400xf32>
    %eq3A_291 = arith.cmpf oeq, %select_n3A_286, %eq3A_290 : vector<60x8400xf32>
    %jit3A_292 = arith.constant 1.000000e+09 : f32
    %broadcast_in_dim3A_293 = vector.broadcast %jit3A_292 : f32 to vector<60x8400xf32>
    %select_n3A_294 = arith.select %eq3A_291, %convert_element_type3A_144, %broadcast_in_dim3A_293 : vector<60x8400xi1>, vector<60x8400xf32>
    %reduce_min3A_295 = arith.constant dense<0x7F800000> : vector<60xf32>
    %reduce_min3A_296 = vector.multi_reduction <minimumf>, %select_n3A_294, %reduce_min3A_295 [1] : vector<60x8400xf32> to vector<60xf32>
    %broadcast_in_dim3A_297 = vector.shape_cast %reduce_min3A_296 : vector<60xf32> to vector<60x1xf32>
    %eq3A_298 = vector.broadcast %broadcast_in_dim3A_297 : vector<60x1xf32> to vector<60x8400xf32>
    %eq3A_299 = arith.cmpf oeq, %convert_element_type3A_144, %eq3A_298 : vector<60x8400xf32>
    %and3A_300 = arith.andi %eq3A_291, %eq3A_299 : vector<60x8400xi1>
    %jit3A_301 = arith.constant 0.000000e+00 : f32
    %broadcast_in_dim3A_302 = vector.broadcast %jit3A_301 : f32 to vector<60x8400xf32>
    %select_n3A_303 = arith.select %and3A_300, %mul3A_142, %broadcast_in_dim3A_302 : vector<60x8400xi1>, vector<60x8400xf32>
    %reduce_sum3A_304 = arith.constant dense<0.000000e+00> : vector<60xf32>
    %reduce_sum3A_305 = vector.multi_reduction <add>, %select_n3A_303, %reduce_sum3A_304 [1] : vector<60x8400xf32> to vector<60xf32>
    %broadcast_in_dim3A_306 = vector.shape_cast %reduce_sum3A_305 : vector<60xf32> to vector<60x1xf32>
    %add3A_307 = arith.addf %add3A_283, %broadcast_in_dim3A_306 : vector<60x1xf32>
    %jit3A_308 = arith.constant 1.000000e+30 : f32
    %broadcast_in_dim3A_309 = vector.broadcast %jit3A_308 : f32 to vector<60x8400xf32>
    %select_n3A_310 = arith.select %and3A_300, %broadcast_in_dim3A_309, %select_n3A_286 : vector<60x8400xi1>, vector<60x8400xf32>
    %reduce_min3A_311 = arith.constant dense<0x7F800000> : vector<60xf32>
    %reduce_min3A_312 = vector.multi_reduction <minimumf>, %select_n3A_310, %reduce_min3A_311 [1] : vector<60x8400xf32> to vector<60xf32>
    %broadcast_in_dim3A_313 = vector.shape_cast %reduce_min3A_312 : vector<60xf32> to vector<60x1xf32>
    %eq3A_314 = vector.broadcast %broadcast_in_dim3A_313 : vector<60x1xf32> to vector<60x8400xf32>
    %eq3A_315 = arith.cmpf oeq, %select_n3A_310, %eq3A_314 : vector<60x8400xf32>
    %jit3A_316 = arith.constant 1.000000e+09 : f32
    %broadcast_in_dim3A_317 = vector.broadcast %jit3A_316 : f32 to vector<60x8400xf32>
    %select_n3A_318 = arith.select %eq3A_315, %convert_element_type3A_144, %broadcast_in_dim3A_317 : vector<60x8400xi1>, vector<60x8400xf32>
    %reduce_min3A_319 = arith.constant dense<0x7F800000> : vector<60xf32>
    %reduce_min3A_320 = vector.multi_reduction <minimumf>, %select_n3A_318, %reduce_min3A_319 [1] : vector<60x8400xf32> to vector<60xf32>
    %broadcast_in_dim3A_321 = vector.shape_cast %reduce_min3A_320 : vector<60xf32> to vector<60x1xf32>
    %eq3A_322 = vector.broadcast %broadcast_in_dim3A_321 : vector<60x1xf32> to vector<60x8400xf32>
    %eq3A_323 = arith.cmpf oeq, %convert_element_type3A_144, %eq3A_322 : vector<60x8400xf32>
    %and3A_324 = arith.andi %eq3A_315, %eq3A_323 : vector<60x8400xi1>
    %jit3A_325 = arith.constant 0.000000e+00 : f32
    %broadcast_in_dim3A_326 = vector.broadcast %jit3A_325 : f32 to vector<60x8400xf32>
    %select_n3A_327 = arith.select %and3A_324, %mul3A_142, %broadcast_in_dim3A_326 : vector<60x8400xi1>, vector<60x8400xf32>
    %reduce_sum3A_328 = arith.constant dense<0.000000e+00> : vector<60xf32>
    %reduce_sum3A_329 = vector.multi_reduction <add>, %select_n3A_327, %reduce_sum3A_328 [1] : vector<60x8400xf32> to vector<60xf32>
    %broadcast_in_dim3A_330 = vector.shape_cast %reduce_sum3A_329 : vector<60xf32> to vector<60x1xf32>
    %add3A_331 = arith.addf %add3A_307, %broadcast_in_dim3A_330 : vector<60x1xf32>
    %jit3A_332 = arith.constant 1.000000e+30 : f32
    %broadcast_in_dim3A_333 = vector.broadcast %jit3A_332 : f32 to vector<60x8400xf32>
    %select_n3A_334 = arith.select %and3A_324, %broadcast_in_dim3A_333, %select_n3A_310 : vector<60x8400xi1>, vector<60x8400xf32>
    %reduce_min3A_335 = arith.constant dense<0x7F800000> : vector<60xf32>
    %reduce_min3A_336 = vector.multi_reduction <minimumf>, %select_n3A_334, %reduce_min3A_335 [1] : vector<60x8400xf32> to vector<60xf32>
    %broadcast_in_dim3A_337 = vector.shape_cast %reduce_min3A_336 : vector<60xf32> to vector<60x1xf32>
    %eq3A_338 = vector.broadcast %broadcast_in_dim3A_337 : vector<60x1xf32> to vector<60x8400xf32>
    %eq3A_339 = arith.cmpf oeq, %select_n3A_334, %eq3A_338 : vector<60x8400xf32>
    %jit3A_340 = arith.constant 1.000000e+09 : f32
    %broadcast_in_dim3A_341 = vector.broadcast %jit3A_340 : f32 to vector<60x8400xf32>
    %select_n3A_342 = arith.select %eq3A_339, %convert_element_type3A_144, %broadcast_in_dim3A_341 : vector<60x8400xi1>, vector<60x8400xf32>
    %reduce_min3A_343 = arith.constant dense<0x7F800000> : vector<60xf32>
    %reduce_min3A_344 = vector.multi_reduction <minimumf>, %select_n3A_342, %reduce_min3A_343 [1] : vector<60x8400xf32> to vector<60xf32>
    %broadcast_in_dim3A_345 = vector.shape_cast %reduce_min3A_344 : vector<60xf32> to vector<60x1xf32>
    %eq3A_346 = vector.broadcast %broadcast_in_dim3A_345 : vector<60x1xf32> to vector<60x8400xf32>
    %eq3A_347 = arith.cmpf oeq, %convert_element_type3A_144, %eq3A_346 : vector<60x8400xf32>
    %and3A_348 = arith.andi %eq3A_339, %eq3A_347 : vector<60x8400xi1>
    %jit3A_349 = arith.constant 0.000000e+00 : f32
    %broadcast_in_dim3A_350 = vector.broadcast %jit3A_349 : f32 to vector<60x8400xf32>
    %select_n3A_351 = arith.select %and3A_348, %mul3A_142, %broadcast_in_dim3A_350 : vector<60x8400xi1>, vector<60x8400xf32>
    %reduce_sum3A_352 = arith.constant dense<0.000000e+00> : vector<60xf32>
    %reduce_sum3A_353 = vector.multi_reduction <add>, %select_n3A_351, %reduce_sum3A_352 [1] : vector<60x8400xf32> to vector<60xf32>
    %broadcast_in_dim3A_354 = vector.shape_cast %reduce_sum3A_353 : vector<60xf32> to vector<60x1xf32>
    %add3A_355 = arith.addf %add3A_331, %broadcast_in_dim3A_354 : vector<60x1xf32>
    %jit3A_356 = arith.constant 1.000000e+30 : f32
    %broadcast_in_dim3A_357 = vector.broadcast %jit3A_356 : f32 to vector<60x8400xf32>
    %select_n3A_358 = arith.select %and3A_348, %broadcast_in_dim3A_357, %select_n3A_334 : vector<60x8400xi1>, vector<60x8400xf32>
    %reduce_min3A_359 = arith.constant dense<0x7F800000> : vector<60xf32>
    %reduce_min3A_360 = vector.multi_reduction <minimumf>, %select_n3A_358, %reduce_min3A_359 [1] : vector<60x8400xf32> to vector<60xf32>
    %broadcast_in_dim3A_361 = vector.shape_cast %reduce_min3A_360 : vector<60xf32> to vector<60x1xf32>
    %eq3A_362 = vector.broadcast %broadcast_in_dim3A_361 : vector<60x1xf32> to vector<60x8400xf32>
    %eq3A_363 = arith.cmpf oeq, %select_n3A_358, %eq3A_362 : vector<60x8400xf32>
    %jit3A_364 = arith.constant 1.000000e+09 : f32
    %broadcast_in_dim3A_365 = vector.broadcast %jit3A_364 : f32 to vector<60x8400xf32>
    %select_n3A_366 = arith.select %eq3A_363, %convert_element_type3A_144, %broadcast_in_dim3A_365 : vector<60x8400xi1>, vector<60x8400xf32>
    %reduce_min3A_367 = arith.constant dense<0x7F800000> : vector<60xf32>
    %reduce_min3A_368 = vector.multi_reduction <minimumf>, %select_n3A_366, %reduce_min3A_367 [1] : vector<60x8400xf32> to vector<60xf32>
    %broadcast_in_dim3A_369 = vector.shape_cast %reduce_min3A_368 : vector<60xf32> to vector<60x1xf32>
    %eq3A_370 = vector.broadcast %broadcast_in_dim3A_369 : vector<60x1xf32> to vector<60x8400xf32>
    %eq3A_371 = arith.cmpf oeq, %convert_element_type3A_144, %eq3A_370 : vector<60x8400xf32>
    %and3A_372 = arith.andi %eq3A_363, %eq3A_371 : vector<60x8400xi1>
    %jit3A_373 = arith.constant 0.000000e+00 : f32
    %broadcast_in_dim3A_374 = vector.broadcast %jit3A_373 : f32 to vector<60x8400xf32>
    %select_n3A_375 = arith.select %and3A_372, %mul3A_142, %broadcast_in_dim3A_374 : vector<60x8400xi1>, vector<60x8400xf32>
    %reduce_sum3A_376 = arith.constant dense<0.000000e+00> : vector<60xf32>
    %reduce_sum3A_377 = vector.multi_reduction <add>, %select_n3A_375, %reduce_sum3A_376 [1] : vector<60x8400xf32> to vector<60xf32>
    %broadcast_in_dim3A_378 = vector.shape_cast %reduce_sum3A_377 : vector<60xf32> to vector<60x1xf32>
    %add3A_379 = arith.addf %add3A_355, %broadcast_in_dim3A_378 : vector<60x1xf32>
    %floor3A = math.floor %add3A_379 : vector<60x1xf32>
    %jit3A_380 = arith.constant 1.000000e+00 : f32
    %jit3A_381 = arith.constant 1.000000e+01 : f32
    %max3A_382 = vector.broadcast %jit3A_380 : f32 to vector<60x1xf32>
    %max3A_383 = arith.maximumf %max3A_382, %floor3A : vector<60x1xf32>
    %min3A_384 = vector.broadcast %jit3A_381 : f32 to vector<60x1xf32>
    %min3A_385 = arith.minimumf %min3A_384, %max3A_383 : vector<60x1xf32>
    %broadcast_in_dim3A_386 = arith.constant 0.000000e+00 : f32
    %broadcast_in_dim3A_387 = vector.broadcast %broadcast_in_dim3A_386 : f32 to vector<60x1xf32>
    %eq3A_388 = arith.constant 1.000000e+00 : f32
    %eq3A_389 = vector.broadcast %eq3A_388 : f32 to vector<60x1xf32>
    %eq3A_390 = arith.cmpf oeq, %min3A_385, %eq3A_389 : vector<60x1xf32>
    %jit3A_391 = arith.constant 0.000000e+00 : f32
    %broadcast_in_dim3A_392 = vector.broadcast %jit3A_391 : f32 to vector<60x1xf32>
    %select_n3A_393 = arith.select %eq3A_390, %broadcast_in_dim3A_147, %broadcast_in_dim3A_392 : vector<60x1xi1>, vector<60x1xf32>
    %add3A_394 = arith.addf %broadcast_in_dim3A_387, %select_n3A_393 : vector<60x1xf32>
    %eq3A_395 = arith.constant 2.000000e+00 : f32
    %eq3A_396 = vector.broadcast %eq3A_395 : f32 to vector<60x1xf32>
    %eq3A_397 = arith.cmpf oeq, %min3A_385, %eq3A_396 : vector<60x1xf32>
    %jit3A_398 = arith.constant 0.000000e+00 : f32
    %broadcast_in_dim3A_399 = vector.broadcast %jit3A_398 : f32 to vector<60x1xf32>
    %select_n3A_400 = arith.select %eq3A_397, %broadcast_in_dim3A_169, %broadcast_in_dim3A_399 : vector<60x1xi1>, vector<60x1xf32>
    %add3A_401 = arith.addf %add3A_394, %select_n3A_400 : vector<60x1xf32>
    %eq3A_402 = arith.constant 3.000000e+00 : f32
    %eq3A_403 = vector.broadcast %eq3A_402 : f32 to vector<60x1xf32>
    %eq3A_404 = arith.cmpf oeq, %min3A_385, %eq3A_403 : vector<60x1xf32>
    %jit3A_405 = arith.constant 0.000000e+00 : f32
    %broadcast_in_dim3A_406 = vector.broadcast %jit3A_405 : f32 to vector<60x1xf32>
    %select_n3A_407 = arith.select %eq3A_404, %broadcast_in_dim3A_193, %broadcast_in_dim3A_406 : vector<60x1xi1>, vector<60x1xf32>
    %add3A_408 = arith.addf %add3A_401, %select_n3A_407 : vector<60x1xf32>
    %eq3A_409 = arith.constant 4.000000e+00 : f32
    %eq3A_410 = vector.broadcast %eq3A_409 : f32 to vector<60x1xf32>
    %eq3A_411 = arith.cmpf oeq, %min3A_385, %eq3A_410 : vector<60x1xf32>
    %jit3A_412 = arith.constant 0.000000e+00 : f32
    %broadcast_in_dim3A_413 = vector.broadcast %jit3A_412 : f32 to vector<60x1xf32>
    %select_n3A_414 = arith.select %eq3A_411, %broadcast_in_dim3A_217, %broadcast_in_dim3A_413 : vector<60x1xi1>, vector<60x1xf32>
    %add3A_415 = arith.addf %add3A_408, %select_n3A_414 : vector<60x1xf32>
    %eq3A_416 = arith.constant 5.000000e+00 : f32
    %eq3A_417 = vector.broadcast %eq3A_416 : f32 to vector<60x1xf32>
    %eq3A_418 = arith.cmpf oeq, %min3A_385, %eq3A_417 : vector<60x1xf32>
    %jit3A_419 = arith.constant 0.000000e+00 : f32
    %broadcast_in_dim3A_420 = vector.broadcast %jit3A_419 : f32 to vector<60x1xf32>
    %select_n3A_421 = arith.select %eq3A_418, %broadcast_in_dim3A_241, %broadcast_in_dim3A_420 : vector<60x1xi1>, vector<60x1xf32>
    %add3A_422 = arith.addf %add3A_415, %select_n3A_421 : vector<60x1xf32>
    %eq3A_423 = arith.constant 6.000000e+00 : f32
    %eq3A_424 = vector.broadcast %eq3A_423 : f32 to vector<60x1xf32>
    %eq3A_425 = arith.cmpf oeq, %min3A_385, %eq3A_424 : vector<60x1xf32>
    %jit3A_426 = arith.constant 0.000000e+00 : f32
    %broadcast_in_dim3A_427 = vector.broadcast %jit3A_426 : f32 to vector<60x1xf32>
    %select_n3A_428 = arith.select %eq3A_425, %broadcast_in_dim3A_265, %broadcast_in_dim3A_427 : vector<60x1xi1>, vector<60x1xf32>
    %add3A_429 = arith.addf %add3A_422, %select_n3A_428 : vector<60x1xf32>
    %eq3A_430 = arith.constant 7.000000e+00 : f32
    %eq3A_431 = vector.broadcast %eq3A_430 : f32 to vector<60x1xf32>
    %eq3A_432 = arith.cmpf oeq, %min3A_385, %eq3A_431 : vector<60x1xf32>
    %jit3A_433 = arith.constant 0.000000e+00 : f32
    %broadcast_in_dim3A_434 = vector.broadcast %jit3A_433 : f32 to vector<60x1xf32>
    %select_n3A_435 = arith.select %eq3A_432, %broadcast_in_dim3A_289, %broadcast_in_dim3A_434 : vector<60x1xi1>, vector<60x1xf32>
    %add3A_436 = arith.addf %add3A_429, %select_n3A_435 : vector<60x1xf32>
    %eq3A_437 = arith.constant 8.000000e+00 : f32
    %eq3A_438 = vector.broadcast %eq3A_437 : f32 to vector<60x1xf32>
    %eq3A_439 = arith.cmpf oeq, %min3A_385, %eq3A_438 : vector<60x1xf32>
    %jit3A_440 = arith.constant 0.000000e+00 : f32
    %broadcast_in_dim3A_441 = vector.broadcast %jit3A_440 : f32 to vector<60x1xf32>
    %select_n3A_442 = arith.select %eq3A_439, %broadcast_in_dim3A_313, %broadcast_in_dim3A_441 : vector<60x1xi1>, vector<60x1xf32>
    %add3A_443 = arith.addf %add3A_436, %select_n3A_442 : vector<60x1xf32>
    %eq3A_444 = arith.constant 9.000000e+00 : f32
    %eq3A_445 = vector.broadcast %eq3A_444 : f32 to vector<60x1xf32>
    %eq3A_446 = arith.cmpf oeq, %min3A_385, %eq3A_445 : vector<60x1xf32>
    %jit3A_447 = arith.constant 0.000000e+00 : f32
    %broadcast_in_dim3A_448 = vector.broadcast %jit3A_447 : f32 to vector<60x1xf32>
    %select_n3A_449 = arith.select %eq3A_446, %broadcast_in_dim3A_337, %broadcast_in_dim3A_448 : vector<60x1xi1>, vector<60x1xf32>
    %add3A_450 = arith.addf %add3A_443, %select_n3A_449 : vector<60x1xf32>
    %eq3A_451 = arith.constant 1.000000e+01 : f32
    %eq3A_452 = vector.broadcast %eq3A_451 : f32 to vector<60x1xf32>
    %eq3A_453 = arith.cmpf oeq, %min3A_385, %eq3A_452 : vector<60x1xf32>
    %jit3A_454 = arith.constant 0.000000e+00 : f32
    %broadcast_in_dim3A_455 = vector.broadcast %jit3A_454 : f32 to vector<60x1xf32>
    %select_n3A_456 = arith.select %eq3A_453, %broadcast_in_dim3A_361, %broadcast_in_dim3A_455 : vector<60x1xi1>, vector<60x1xf32>
    %add3A_457 = arith.addf %add3A_450, %select_n3A_456 : vector<60x1xf32>
    %broadcast_in_dim3A_458 = arith.constant -1.000000e+00 : f32
    %broadcast_in_dim3A_459 = vector.broadcast %broadcast_in_dim3A_458 : f32 to vector<60x1xf32>
    %gt3A_460 = arith.constant 0.000000e+00 : f32
    %gt3A_461 = vector.broadcast %gt3A_460 : f32 to vector<60x1xf32>
    %gt3A_462 = arith.cmpf ogt, %min3A_385, %gt3A_461 : vector<60x1xf32>
    %eq3A_463 = arith.cmpf oeq, %broadcast_in_dim3A_147, %add3A_457 : vector<60x1xf32>
    %and3A_464 = arith.andi %gt3A_462, %eq3A_463 : vector<60x1xi1>
    %jit3A_465 = arith.constant -1.000000e+00 : f32
    %broadcast_in_dim3A_466 = vector.broadcast %jit3A_465 : f32 to vector<60x1xf32>
    %select_n3A_467 = arith.select %and3A_464, %broadcast_in_dim3A_154, %broadcast_in_dim3A_466 : vector<60x1xi1>, vector<60x1xf32>
    %max3A_468 = arith.maximumf %broadcast_in_dim3A_459, %select_n3A_467 : vector<60x1xf32>
    %gt3A_469 = arith.constant 1.000000e+00 : f32
    %gt3A_470 = vector.broadcast %gt3A_469 : f32 to vector<60x1xf32>
    %gt3A_471 = arith.cmpf ogt, %min3A_385, %gt3A_470 : vector<60x1xf32>
    %eq3A_472 = arith.cmpf oeq, %broadcast_in_dim3A_169, %add3A_457 : vector<60x1xf32>
    %and3A_473 = arith.andi %gt3A_471, %eq3A_472 : vector<60x1xi1>
    %jit3A_474 = arith.constant -1.000000e+00 : f32
    %broadcast_in_dim3A_475 = vector.broadcast %jit3A_474 : f32 to vector<60x1xf32>
    %select_n3A_476 = arith.select %and3A_473, %broadcast_in_dim3A_177, %broadcast_in_dim3A_475 : vector<60x1xi1>, vector<60x1xf32>
    %max3A_477 = arith.maximumf %max3A_468, %select_n3A_476 : vector<60x1xf32>
    %gt3A_478 = arith.constant 2.000000e+00 : f32
    %gt3A_479 = vector.broadcast %gt3A_478 : f32 to vector<60x1xf32>
    %gt3A_480 = arith.cmpf ogt, %min3A_385, %gt3A_479 : vector<60x1xf32>
    %eq3A_481 = arith.cmpf oeq, %broadcast_in_dim3A_193, %add3A_457 : vector<60x1xf32>
    %and3A_482 = arith.andi %gt3A_480, %eq3A_481 : vector<60x1xi1>
    %jit3A_483 = arith.constant -1.000000e+00 : f32
    %broadcast_in_dim3A_484 = vector.broadcast %jit3A_483 : f32 to vector<60x1xf32>
    %select_n3A_485 = arith.select %and3A_482, %broadcast_in_dim3A_201, %broadcast_in_dim3A_484 : vector<60x1xi1>, vector<60x1xf32>
    %max3A_486 = arith.maximumf %max3A_477, %select_n3A_485 : vector<60x1xf32>
    %gt3A_487 = arith.constant 3.000000e+00 : f32
    %gt3A_488 = vector.broadcast %gt3A_487 : f32 to vector<60x1xf32>
    %gt3A_489 = arith.cmpf ogt, %min3A_385, %gt3A_488 : vector<60x1xf32>
    %eq3A_490 = arith.cmpf oeq, %broadcast_in_dim3A_217, %add3A_457 : vector<60x1xf32>
    %and3A_491 = arith.andi %gt3A_489, %eq3A_490 : vector<60x1xi1>
    %jit3A_492 = arith.constant -1.000000e+00 : f32
    %broadcast_in_dim3A_493 = vector.broadcast %jit3A_492 : f32 to vector<60x1xf32>
    %select_n3A_494 = arith.select %and3A_491, %broadcast_in_dim3A_225, %broadcast_in_dim3A_493 : vector<60x1xi1>, vector<60x1xf32>
    %max3A_495 = arith.maximumf %max3A_486, %select_n3A_494 : vector<60x1xf32>
    %gt3A_496 = arith.constant 4.000000e+00 : f32
    %gt3A_497 = vector.broadcast %gt3A_496 : f32 to vector<60x1xf32>
    %gt3A_498 = arith.cmpf ogt, %min3A_385, %gt3A_497 : vector<60x1xf32>
    %eq3A_499 = arith.cmpf oeq, %broadcast_in_dim3A_241, %add3A_457 : vector<60x1xf32>
    %and3A_500 = arith.andi %gt3A_498, %eq3A_499 : vector<60x1xi1>
    %jit3A_501 = arith.constant -1.000000e+00 : f32
    %broadcast_in_dim3A_502 = vector.broadcast %jit3A_501 : f32 to vector<60x1xf32>
    %select_n3A_503 = arith.select %and3A_500, %broadcast_in_dim3A_249, %broadcast_in_dim3A_502 : vector<60x1xi1>, vector<60x1xf32>
    %max3A_504 = arith.maximumf %max3A_495, %select_n3A_503 : vector<60x1xf32>
    %gt3A_505 = arith.constant 5.000000e+00 : f32
    %gt3A_506 = vector.broadcast %gt3A_505 : f32 to vector<60x1xf32>
    %gt3A_507 = arith.cmpf ogt, %min3A_385, %gt3A_506 : vector<60x1xf32>
    %eq3A_508 = arith.cmpf oeq, %broadcast_in_dim3A_265, %add3A_457 : vector<60x1xf32>
    %and3A_509 = arith.andi %gt3A_507, %eq3A_508 : vector<60x1xi1>
    %jit3A_510 = arith.constant -1.000000e+00 : f32
    %broadcast_in_dim3A_511 = vector.broadcast %jit3A_510 : f32 to vector<60x1xf32>
    %select_n3A_512 = arith.select %and3A_509, %broadcast_in_dim3A_273, %broadcast_in_dim3A_511 : vector<60x1xi1>, vector<60x1xf32>
    %max3A_513 = arith.maximumf %max3A_504, %select_n3A_512 : vector<60x1xf32>
    %gt3A_514 = arith.constant 6.000000e+00 : f32
    %gt3A_515 = vector.broadcast %gt3A_514 : f32 to vector<60x1xf32>
    %gt3A_516 = arith.cmpf ogt, %min3A_385, %gt3A_515 : vector<60x1xf32>
    %eq3A_517 = arith.cmpf oeq, %broadcast_in_dim3A_289, %add3A_457 : vector<60x1xf32>
    %and3A_518 = arith.andi %gt3A_516, %eq3A_517 : vector<60x1xi1>
    %jit3A_519 = arith.constant -1.000000e+00 : f32
    %broadcast_in_dim3A_520 = vector.broadcast %jit3A_519 : f32 to vector<60x1xf32>
    %select_n3A_521 = arith.select %and3A_518, %broadcast_in_dim3A_297, %broadcast_in_dim3A_520 : vector<60x1xi1>, vector<60x1xf32>
    %max3A_522 = arith.maximumf %max3A_513, %select_n3A_521 : vector<60x1xf32>
    %gt3A_523 = arith.constant 7.000000e+00 : f32
    %gt3A_524 = vector.broadcast %gt3A_523 : f32 to vector<60x1xf32>
    %gt3A_525 = arith.cmpf ogt, %min3A_385, %gt3A_524 : vector<60x1xf32>
    %eq3A_526 = arith.cmpf oeq, %broadcast_in_dim3A_313, %add3A_457 : vector<60x1xf32>
    %and3A_527 = arith.andi %gt3A_525, %eq3A_526 : vector<60x1xi1>
    %jit3A_528 = arith.constant -1.000000e+00 : f32
    %broadcast_in_dim3A_529 = vector.broadcast %jit3A_528 : f32 to vector<60x1xf32>
    %select_n3A_530 = arith.select %and3A_527, %broadcast_in_dim3A_321, %broadcast_in_dim3A_529 : vector<60x1xi1>, vector<60x1xf32>
    %max3A_531 = arith.maximumf %max3A_522, %select_n3A_530 : vector<60x1xf32>
    %gt3A_532 = arith.constant 8.000000e+00 : f32
    %gt3A_533 = vector.broadcast %gt3A_532 : f32 to vector<60x1xf32>
    %gt3A_534 = arith.cmpf ogt, %min3A_385, %gt3A_533 : vector<60x1xf32>
    %eq3A_535 = arith.cmpf oeq, %broadcast_in_dim3A_337, %add3A_457 : vector<60x1xf32>
    %and3A_536 = arith.andi %gt3A_534, %eq3A_535 : vector<60x1xi1>
    %jit3A_537 = arith.constant -1.000000e+00 : f32
    %broadcast_in_dim3A_538 = vector.broadcast %jit3A_537 : f32 to vector<60x1xf32>
    %select_n3A_539 = arith.select %and3A_536, %broadcast_in_dim3A_345, %broadcast_in_dim3A_538 : vector<60x1xi1>, vector<60x1xf32>
    %max3A_540 = arith.maximumf %max3A_531, %select_n3A_539 : vector<60x1xf32>
    %gt3A_541 = arith.constant 9.000000e+00 : f32
    %gt3A_542 = vector.broadcast %gt3A_541 : f32 to vector<60x1xf32>
    %gt3A_543 = arith.cmpf ogt, %min3A_385, %gt3A_542 : vector<60x1xf32>
    %eq3A_544 = arith.cmpf oeq, %broadcast_in_dim3A_361, %add3A_457 : vector<60x1xf32>
    %and3A_545 = arith.andi %gt3A_543, %eq3A_544 : vector<60x1xi1>
    %jit3A_546 = arith.constant -1.000000e+00 : f32
    %broadcast_in_dim3A_547 = vector.broadcast %jit3A_546 : f32 to vector<60x1xf32>
    %select_n3A_548 = arith.select %and3A_545, %broadcast_in_dim3A_369, %broadcast_in_dim3A_547 : vector<60x1xi1>, vector<60x1xf32>
    %max3A_549 = arith.maximumf %max3A_540, %select_n3A_548 : vector<60x1xf32>
    %lt3A_550 = vector.broadcast %add3A_457 : vector<60x1xf32> to vector<60x8400xf32>
    %lt3A_551 = arith.cmpf olt, %sub3A_141, %lt3A_550 : vector<60x8400xf32>
    %eq3A_552 = vector.broadcast %add3A_457 : vector<60x1xf32> to vector<60x8400xf32>
    %eq3A_553 = arith.cmpf oeq, %sub3A_141, %eq3A_552 : vector<60x8400xf32>
    %le3A_554 = vector.broadcast %max3A_549 : vector<60x1xf32> to vector<60x8400xf32>
    %le3A_555 = arith.cmpf ole, %convert_element_type3A_144, %le3A_554 : vector<60x8400xf32>
    %and3A_556 = arith.andi %eq3A_553, %le3A_555 : vector<60x8400xi1>
    %or3A_557 = arith.ori %lt3A_551, %and3A_556 : vector<60x8400xi1>
    %convert_element_type3A_558 = arith.extui %or3A_557 : vector<60x8400xi1> to vector<60x8400xi32>
    %convert_element_type3A_559 = arith.sitofp %convert_element_type3A_558 : vector<60x8400xi32> to vector<60x8400xf32>
    %mul3A_560 = vector.broadcast %convert_element_type3A_10 : vector<60x1xf32> to vector<60x8400xf32>
    %mul3A_561 = arith.mulf %mul3A_560, %convert_element_type3A_559 : vector<60x8400xf32>
    %reduce_sum3A_562 = arith.constant dense<0.000000e+00> : vector<8400xf32>
    %reduce_sum3A_563 = vector.multi_reduction <add>, %mul3A_561, %reduce_sum3A_562 [0] : vector<60x8400xf32> to vector<8400xf32>
    %broadcast_in_dim3A_564 = vector.shape_cast %reduce_sum3A_563 : vector<8400xf32> to vector<1x8400xf32>
    %gt3A_565 = arith.constant 1.000000e+00 : f32
    %gt3A_566 = vector.broadcast %gt3A_565 : f32 to vector<1x8400xf32>
    %gt3A_567 = arith.cmpf ogt, %broadcast_in_dim3A_564, %gt3A_566 : vector<1x8400xf32>
    %reduce_min3A_568 = arith.constant dense<0x7F800000> : vector<8400xf32>
    %reduce_min3A_569 = vector.multi_reduction <minimumf>, %sub3A_141, %reduce_min3A_568 [0] : vector<60x8400xf32> to vector<8400xf32>
    %broadcast_in_dim3A_570 = vector.shape_cast %reduce_min3A_569 : vector<8400xf32> to vector<1x8400xf32>
    %iota3A_571 = tpu.iota {dimensions = array<i32: 0>} : vector<60x8400xi32>
    %convert_element_type3A_572 = arith.sitofp %iota3A_571 : vector<60x8400xi32> to vector<60x8400xf32>
    %eq3A_573 = vector.broadcast %broadcast_in_dim3A_570 : vector<1x8400xf32> to vector<60x8400xf32>
    %eq3A_574 = arith.cmpf oeq, %sub3A_141, %eq3A_573 : vector<60x8400xf32>
    %jit3A_575 = arith.constant 1.000000e+09 : f32
    %broadcast_in_dim3A_576 = vector.broadcast %jit3A_575 : f32 to vector<60x8400xf32>
    %select_n3A_577 = arith.select %eq3A_574, %convert_element_type3A_572, %broadcast_in_dim3A_576 : vector<60x8400xi1>, vector<60x8400xf32>
    %reduce_min3A_578 = arith.constant dense<0x7F800000> : vector<8400xf32>
    %reduce_min3A_579 = vector.multi_reduction <minimumf>, %select_n3A_577, %reduce_min3A_578 [0] : vector<60x8400xf32> to vector<8400xf32>
    %broadcast_in_dim3A_580 = vector.shape_cast %reduce_min3A_579 : vector<8400xf32> to vector<1x8400xf32>
    %eq3A_581 = vector.broadcast %broadcast_in_dim3A_580 : vector<1x8400xf32> to vector<60x8400xf32>
    %eq3A_582 = arith.cmpf oeq, %convert_element_type3A_572, %eq3A_581 : vector<60x8400xf32>
    %convert_element_type3A_583 = arith.extui %eq3A_582 : vector<60x8400xi1> to vector<60x8400xi32>
    %convert_element_type3A_584 = arith.sitofp %convert_element_type3A_583 : vector<60x8400xi32> to vector<60x8400xf32>
    %jit3A_585 = arith.constant 1.000000e+00 : f32
    %broadcast_in_dim3A_586 = vector.shape_cast %gt3A_567 : vector<1x8400xi1> to vector<1x8400xi1>
    %broadcast_in_dim3A_587 = vector.broadcast %broadcast_in_dim3A_586 : vector<1x8400xi1> to vector<60x8400xi1>
    %broadcast_in_dim3A_588 = vector.broadcast %jit3A_585 : f32 to vector<60x8400xf32>
    %select_n3A_589 = arith.select %broadcast_in_dim3A_587, %convert_element_type3A_584, %broadcast_in_dim3A_588 : vector<60x8400xi1>, vector<60x8400xf32>
    %mul3A_590 = arith.mulf %mul3A_561, %select_n3A_589 : vector<60x8400xf32>
    %reduce_sum3A_591 = arith.constant dense<0.000000e+00> : vector<8400xf32>
    %reduce_sum3A_592 = vector.multi_reduction <add>, %mul3A_590, %reduce_sum3A_591 [0] : vector<60x8400xf32> to vector<8400xf32>
    %broadcast_in_dim3A_593 = vector.shape_cast %reduce_sum3A_592 : vector<8400xf32> to vector<1x8400xf32>
    %reduce_sum3A_594 = vector.shape_cast %broadcast_in_dim3A_593 : vector<1x8400xf32> to vector<1x1x8400xf32>
    %reduce_sum3A_595 = arith.constant dense<0.000000e+00> : vector<1xf32>
    %reduce_sum3A_596 = vector.multi_reduction <add>, %reduce_sum3A_594, %reduce_sum3A_595 [1, 2] : vector<1x1x8400xf32> to vector<1xf32>
    %reduce_sum3A_597 = vector.shape_cast %reduce_sum3A_596 : vector<1xf32> to vector<1x1x1xf32>
    %reduce_sum3A_598 = vector.extract %reduce_sum3A_597[0, 0, 0] : f32 from vector<1x1x1xf32>
    %reduce_sum3A_599 = vector.shape_cast %convert_element_type3A_10 : vector<60x1xf32> to vector<1x60x1xf32>
    %reduce_sum3A_600 = arith.constant dense<0.000000e+00> : vector<1xf32>
    %reduce_sum3A_601 = vector.multi_reduction <add>, %reduce_sum3A_599, %reduce_sum3A_600 [1, 2] : vector<1x60x1xf32> to vector<1xf32>
    %reduce_sum3A_602 = vector.shape_cast %reduce_sum3A_601 : vector<1xf32> to vector<1x1x1xf32>
    %reduce_sum3A_603 = vector.extract %reduce_sum3A_602[0, 0, 0] : f32 from vector<1x1x1xf32>
    %mul3A_604 = arith.mulf %mul3A_590, %mul3A_101 : vector<60x8400xf32>
    %reduce_sum3A_605 = arith.constant dense<0.000000e+00> : vector<8400xf32>
    %reduce_sum3A_606 = vector.multi_reduction <add>, %mul3A_604, %reduce_sum3A_605 [0] : vector<60x8400xf32> to vector<8400xf32>
    %broadcast_in_dim3A_607 = vector.shape_cast %reduce_sum3A_606 : vector<8400xf32> to vector<1x8400xf32>
    %mul3A_608 = vector.broadcast %slice3A_4 : vector<60x1xf32> to vector<60x8400xf32>
    %mul3A_609 = arith.mulf %mul3A_590, %mul3A_608 : vector<60x8400xf32>
    %reduce_sum3A_610 = arith.constant dense<0.000000e+00> : vector<8400xf32>
    %reduce_sum3A_611 = vector.multi_reduction <add>, %mul3A_609, %reduce_sum3A_610 [0] : vector<60x8400xf32> to vector<8400xf32>
    %broadcast_in_dim3A_612 = vector.shape_cast %reduce_sum3A_611 : vector<8400xf32> to vector<1x8400xf32>
    %mul3A_613 = vector.broadcast %slice3A_5 : vector<60x1xf32> to vector<60x8400xf32>
    %mul3A_614 = arith.mulf %mul3A_590, %mul3A_613 : vector<60x8400xf32>
    %reduce_sum3A_615 = arith.constant dense<0.000000e+00> : vector<8400xf32>
    %reduce_sum3A_616 = vector.multi_reduction <add>, %mul3A_614, %reduce_sum3A_615 [0] : vector<60x8400xf32> to vector<8400xf32>
    %broadcast_in_dim3A_617 = vector.shape_cast %reduce_sum3A_616 : vector<8400xf32> to vector<1x8400xf32>
    %mul3A_618 = vector.broadcast %slice3A_6 : vector<60x1xf32> to vector<60x8400xf32>
    %mul3A_619 = arith.mulf %mul3A_590, %mul3A_618 : vector<60x8400xf32>
    %reduce_sum3A_620 = arith.constant dense<0.000000e+00> : vector<8400xf32>
    %reduce_sum3A_621 = vector.multi_reduction <add>, %mul3A_619, %reduce_sum3A_620 [0] : vector<60x8400xf32> to vector<8400xf32>
    %broadcast_in_dim3A_622 = vector.shape_cast %reduce_sum3A_621 : vector<8400xf32> to vector<1x8400xf32>
    %mul3A_623 = vector.broadcast %slice3A_7 : vector<60x1xf32> to vector<60x8400xf32>
    %mul3A_624 = arith.mulf %mul3A_590, %mul3A_623 : vector<60x8400xf32>
    %reduce_sum3A_625 = arith.constant dense<0.000000e+00> : vector<8400xf32>
    %reduce_sum3A_626 = vector.multi_reduction <add>, %mul3A_624, %reduce_sum3A_625 [0] : vector<60x8400xf32> to vector<8400xf32>
    %broadcast_in_dim3A_627 = vector.shape_cast %reduce_sum3A_626 : vector<8400xf32> to vector<1x8400xf32>
    %mul3A_628 = arith.constant 5.000000e-01 : f32
    %mul3A_629 = vector.broadcast %mul3A_628 : f32 to vector<1x8400xf32>
    %mul3A_630 = arith.mulf %broadcast_in_dim3A_622, %mul3A_629 : vector<1x8400xf32>
    %sub3A_631 = arith.subf %broadcast_in_dim3A_612, %mul3A_630 : vector<1x8400xf32>
    %max3A_632 = arith.maximumf %sub3A_60, %sub3A_631 : vector<1x8400xf32>
    %mul3A_633 = arith.constant 5.000000e-01 : f32
    %mul3A_634 = vector.broadcast %mul3A_633 : f32 to vector<1x8400xf32>
    %mul3A_635 = arith.mulf %broadcast_in_dim3A_622, %mul3A_634 : vector<1x8400xf32>
    %add3A_636 = arith.addf %broadcast_in_dim3A_612, %mul3A_635 : vector<1x8400xf32>
    %min3A_637 = arith.minimumf %add3A_64, %add3A_636 : vector<1x8400xf32>
    %mul3A_638 = arith.constant 5.000000e-01 : f32
    %mul3A_639 = vector.broadcast %mul3A_638 : f32 to vector<1x8400xf32>
    %mul3A_640 = arith.mulf %broadcast_in_dim3A_627, %mul3A_639 : vector<1x8400xf32>
    %sub3A_641 = arith.subf %broadcast_in_dim3A_617, %mul3A_640 : vector<1x8400xf32>
    %max3A_642 = arith.maximumf %sub3A_68, %sub3A_641 : vector<1x8400xf32>
    %mul3A_643 = arith.constant 5.000000e-01 : f32
    %mul3A_644 = vector.broadcast %mul3A_643 : f32 to vector<1x8400xf32>
    %mul3A_645 = arith.mulf %broadcast_in_dim3A_627, %mul3A_644 : vector<1x8400xf32>
    %add3A_646 = arith.addf %broadcast_in_dim3A_617, %mul3A_645 : vector<1x8400xf32>
    %min3A_647 = arith.minimumf %add3A_72, %add3A_646 : vector<1x8400xf32>
    %sub3A_648 = arith.subf %min3A_637, %max3A_632 : vector<1x8400xf32>
    %jit3A_649 = arith.constant 0.000000e+00 : f32
    %max3A_650 = vector.broadcast %jit3A_649 : f32 to vector<1x8400xf32>
    %max3A_651 = arith.maximumf %max3A_650, %sub3A_648 : vector<1x8400xf32>
    %sub3A_652 = arith.subf %min3A_647, %max3A_642 : vector<1x8400xf32>
    %jit3A_653 = arith.constant 0.000000e+00 : f32
    %max3A_654 = vector.broadcast %jit3A_653 : f32 to vector<1x8400xf32>
    %max3A_655 = arith.maximumf %max3A_654, %sub3A_652 : vector<1x8400xf32>
    %mul3A_656 = arith.mulf %max3A_651, %max3A_655 : vector<1x8400xf32>
    %mul3A_657 = arith.mulf %slice3A_22, %slice3A_23 : vector<1x8400xf32>
    %mul3A_658 = arith.mulf %broadcast_in_dim3A_622, %broadcast_in_dim3A_627 : vector<1x8400xf32>
    %add3A_659 = arith.addf %mul3A_657, %mul3A_658 : vector<1x8400xf32>
    %sub3A_660 = arith.subf %add3A_659, %mul3A_656 : vector<1x8400xf32>
    %add3A_661 = arith.constant 1.000000e-16 : f32
    %add3A_662 = vector.broadcast %add3A_661 : f32 to vector<1x8400xf32>
    %add3A_663 = arith.addf %sub3A_660, %add3A_662 : vector<1x8400xf32>
    %div3A_664 = arith.divf %mul3A_656, %add3A_663 : vector<1x8400xf32>
    %mul3A_665 = arith.mulf %div3A_664, %div3A_664 : vector<1x8400xf32>
    %sub3A_666 = arith.constant 1.000000e+00 : f32
    %sub3A_667 = vector.broadcast %sub3A_666 : f32 to vector<1x8400xf32>
    %sub3A_668 = arith.subf %sub3A_667, %mul3A_665 : vector<1x8400xf32>
    %mul3A_669 = arith.mulf %sub3A_668, %broadcast_in_dim3A_593 : vector<1x8400xf32>
    %reduce_sum3A_670 = vector.shape_cast %mul3A_669 : vector<1x8400xf32> to vector<1x1x8400xf32>
    %reduce_sum3A_671 = arith.constant dense<0.000000e+00> : vector<1xf32>
    %reduce_sum3A_672 = vector.multi_reduction <add>, %reduce_sum3A_670, %reduce_sum3A_671 [1, 2] : vector<1x1x8400xf32> to vector<1xf32>
    %reduce_sum3A_673 = vector.shape_cast %reduce_sum3A_672 : vector<1xf32> to vector<1x1x1xf32>
    %reduce_sum3A_674 = vector.extract %reduce_sum3A_673[0, 0, 0] : f32 from vector<1x1x1xf32>
    %slice3A_675 = vector.extract_strided_slice %dot_general3A_19 {offsets = [5, 0], sizes = [1, 8400], strides = [1, 1]} : vector<8x8400xf32> to vector<1x8400xf32>
    %max3A_676 = arith.constant 0.000000e+00 : f32
    %max3A_677 = vector.broadcast %max3A_676 : f32 to vector<1x8400xf32>
    %max3A_678 = arith.maximumf %slice3A_675, %max3A_677 : vector<1x8400xf32>
    %abs3A_679 = math.absf %slice3A_675 : vector<1x8400xf32>
    %neg3A = arith.constant 0.000000e+00 : f32
    %neg3A_680 = vector.broadcast %neg3A : f32 to vector<1x8400xf32>
    %neg3A_681 = arith.subf %neg3A_680, %abs3A_679 : vector<1x8400xf32>
    %exp3A = math.exp %neg3A_681 : vector<1x8400xf32>
    %log1p3A = math.log1p %exp3A : vector<1x8400xf32>
    %add3A_682 = arith.addf %max3A_678, %log1p3A : vector<1x8400xf32>
    %mul3A_683 = arith.mulf %slice3A_675, %broadcast_in_dim3A_607 : vector<1x8400xf32>
    %sub3A_684 = arith.subf %add3A_682, %mul3A_683 : vector<1x8400xf32>
    %mul3A_685 = arith.mulf %sub3A_684, %broadcast_in_dim3A_593 : vector<1x8400xf32>
    %reduce_sum3A_686 = vector.shape_cast %mul3A_685 : vector<1x8400xf32> to vector<1x1x8400xf32>
    %reduce_sum3A_687 = arith.constant dense<0.000000e+00> : vector<1xf32>
    %reduce_sum3A_688 = vector.multi_reduction <add>, %reduce_sum3A_686, %reduce_sum3A_687 [1, 2] : vector<1x1x8400xf32> to vector<1xf32>
    %reduce_sum3A_689 = vector.shape_cast %reduce_sum3A_688 : vector<1xf32> to vector<1x1x1xf32>
    %reduce_sum3A_690 = vector.extract %reduce_sum3A_689[0, 0, 0] : f32 from vector<1x1x1xf32>
    %get3A_691 = arith.constant 0 : index
    %get3A_692 = arith.constant 0 : index
    %get3A_693 = arith.constant 0 : index
    %get3A_694 = vector.load %arg2[%get3A_691, %get3A_692, %get3A_693] : memref<1x8400x86xf32, #tpu.memory_space<vmem>>, vector<1x8400x86xf32>
    %get3A_695 = vector.shape_cast %get3A_694 : vector<1x8400x86xf32> to vector<8400x86xf32>
    %slice3A_696 = vector.extract_strided_slice %get3A_695 {offsets = [0, 6], sizes = [8400, 80], strides = [1, 1]} : vector<8400x86xf32> to vector<8400x80xf32>
    %max3A_697 = arith.constant 0.000000e+00 : f32
    %max3A_698 = vector.broadcast %max3A_697 : f32 to vector<8400x80xf32>
    %max3A_699 = arith.maximumf %slice3A_696, %max3A_698 : vector<8400x80xf32>
    %abs3A_700 = math.absf %slice3A_696 : vector<8400x80xf32>
    %neg3A_701 = arith.constant 0.000000e+00 : f32
    %neg3A_702 = vector.broadcast %neg3A_701 : f32 to vector<8400x80xf32>
    %neg3A_703 = arith.subf %neg3A_702, %abs3A_700 : vector<8400x80xf32>
    %exp3A_704 = math.exp %neg3A_703 : vector<8400x80xf32>
    %log1p3A_705 = math.log1p %exp3A_704 : vector<8400x80xf32>
    %add3A_706 = arith.addf %max3A_699, %log1p3A_705 : vector<8400x80xf32>
    %reduce_sum3A_707 = vector.shape_cast %add3A_706 : vector<8400x80xf32> to vector<1x8400x80xf32>
    %reduce_sum3A_708 = arith.constant dense<0.000000e+00> : vector<1xf32>
    %reduce_sum3A_709 = vector.multi_reduction <add>, %reduce_sum3A_707, %reduce_sum3A_708 [1, 2] : vector<1x8400x80xf32> to vector<1xf32>
    %reduce_sum3A_710 = vector.shape_cast %reduce_sum3A_709 : vector<1xf32> to vector<1x1x1xf32>
    %reduce_sum3A_711 = vector.extract %reduce_sum3A_710[0, 0, 0] : f32 from vector<1x1x1xf32>
    %dot_general3A_712 = arith.constant dense<0.000000e+00> : vector<60x80xf32>
    %dot_general3A_713 = tpu.matmul %mul3A_590, %slice3A_696, %dot_general3A_712 {dimension_numbers = #tpu.dot_dimension_numbers<[1], [0], [0], [1], [0, 0, 1, 1], [], []>, transpose_lhs_hint = false} : vector<60x8400xf32>, vector<8400x80xf32>, vector<60x80xf32> -> vector<60x80xf32>
    %iota3A_714 = tpu.iota {dimensions = array<i32: 1>} : vector<60x80xi32>
    %convert_element_type3A_715 = arith.sitofp %iota3A_714 : vector<60x80xi32> to vector<60x80xf32>
    %sub3A_716 = arith.constant 1.000000e+00 : f32
    %sub3A_717 = vector.broadcast %sub3A_716 : f32 to vector<60x1xf32>
    %sub3A_718 = arith.subf %slice3A, %sub3A_717 : vector<60x1xf32>
    %jit3A_719 = arith.constant 0.000000e+00 : f32
    %jit3A_720 = arith.constant 7.900000e+01 : f32
    %max3A_721 = vector.broadcast %jit3A_719 : f32 to vector<60x1xf32>
    %max3A_722 = arith.maximumf %max3A_721, %sub3A_718 : vector<60x1xf32>
    %min3A_723 = vector.broadcast %jit3A_720 : f32 to vector<60x1xf32>
    %min3A_724 = arith.minimumf %min3A_723, %max3A_722 : vector<60x1xf32>
    %eq3A_725 = vector.broadcast %min3A_724 : vector<60x1xf32> to vector<60x80xf32>
    %eq3A_726 = arith.cmpf oeq, %convert_element_type3A_715, %eq3A_725 : vector<60x80xf32>
    %convert_element_type3A_727 = arith.extui %eq3A_726 : vector<60x80xi1> to vector<60x80xi32>
    %convert_element_type3A_728 = arith.sitofp %convert_element_type3A_727 : vector<60x80xi32> to vector<60x80xf32>
    %mul3A_729 = arith.mulf %dot_general3A_713, %convert_element_type3A_728 : vector<60x80xf32>
    %reduce_sum3A_730 = vector.shape_cast %mul3A_729 : vector<60x80xf32> to vector<1x60x80xf32>
    %reduce_sum3A_731 = arith.constant dense<0.000000e+00> : vector<1xf32>
    %reduce_sum3A_732 = vector.multi_reduction <add>, %reduce_sum3A_730, %reduce_sum3A_731 [1, 2] : vector<1x60x80xf32> to vector<1xf32>
    %reduce_sum3A_733 = vector.shape_cast %reduce_sum3A_732 : vector<1xf32> to vector<1x1x1xf32>
    %reduce_sum3A_734 = vector.extract %reduce_sum3A_733[0, 0, 0] : f32 from vector<1x1x1xf32>
    %sub3A_735 = arith.subf %reduce_sum3A_711, %reduce_sum3A_734 : f32
    %slice3A_736 = vector.extract_strided_slice %dot_general3A_19 {offsets = [4, 0], sizes = [1, 8400], strides = [1, 1]} : vector<8x8400xf32> to vector<1x8400xf32>
    %get3A_737 = arith.constant 0 : index
    %get3A_738 = arith.constant 0 : index
    %get3A_739 = arith.constant 0 : index
    %get3A_740 = vector.load %arg5[%get3A_737, %get3A_738, %get3A_739] : memref<1x1x6400xf32, #tpu.memory_space<vmem>>, vector<1x1x6400xf32>
    %get3A_741 = vector.shape_cast %get3A_740 : vector<1x1x6400xf32> to vector<1x6400xf32>
    %get3A_742 = arith.constant 0 : index
    %get3A_743 = arith.constant 0 : index
    %get3A_744 = arith.constant 0 : index
    %get3A_745 = vector.load %arg6[%get3A_742, %get3A_743, %get3A_744] : memref<1x1x6400xf32, #tpu.memory_space<vmem>>, vector<1x1x6400xf32>
    %get3A_746 = vector.shape_cast %get3A_745 : vector<1x1x6400xf32> to vector<1x6400xf32>
    %add3A_747 = arith.addf %get3A_741, %get3A_746 : vector<1x6400xf32>
    %gt3A_748 = arith.constant 0.000000e+00 : f32
    %gt3A_749 = vector.broadcast %gt3A_748 : f32 to vector<1x6400xf32>
    %gt3A_750 = arith.cmpf ogt, %add3A_747, %gt3A_749 : vector<1x6400xf32>
    %convert_element_type3A_751 = arith.extui %gt3A_750 : vector<1x6400xi1> to vector<1x6400xi32>
    %convert_element_type3A_752 = arith.sitofp %convert_element_type3A_751 : vector<1x6400xi32> to vector<1x6400xf32>
    %slice3A_753 = vector.extract_strided_slice %slice3A_736 {offsets = [0, 0], sizes = [1, 6400], strides = [1, 1]} : vector<1x8400xf32> to vector<1x6400xf32>
    %max3A_754 = arith.constant 0.000000e+00 : f32
    %max3A_755 = vector.broadcast %max3A_754 : f32 to vector<1x6400xf32>
    %max3A_756 = arith.maximumf %slice3A_753, %max3A_755 : vector<1x6400xf32>
    %abs3A_757 = math.absf %slice3A_753 : vector<1x6400xf32>
    %neg3A_758 = arith.constant 0.000000e+00 : f32
    %neg3A_759 = vector.broadcast %neg3A_758 : f32 to vector<1x6400xf32>
    %neg3A_760 = arith.subf %neg3A_759, %abs3A_757 : vector<1x6400xf32>
    %exp3A_761 = math.exp %neg3A_760 : vector<1x6400xf32>
    %log1p3A_762 = math.log1p %exp3A_761 : vector<1x6400xf32>
    %add3A_763 = arith.addf %max3A_756, %log1p3A_762 : vector<1x6400xf32>
    %mul3A_764 = arith.mulf %slice3A_753, %get3A_746 : vector<1x6400xf32>
    %sub3A_765 = arith.subf %add3A_763, %mul3A_764 : vector<1x6400xf32>
    %mul3A_766 = arith.mulf %sub3A_765, %convert_element_type3A_752 : vector<1x6400xf32>
    %reduce_sum3A_767 = vector.shape_cast %mul3A_766 : vector<1x6400xf32> to vector<1x1x6400xf32>
    %reduce_sum3A_768 = arith.constant dense<0.000000e+00> : vector<1xf32>
    %reduce_sum3A_769 = vector.multi_reduction <add>, %reduce_sum3A_767, %reduce_sum3A_768 [1, 2] : vector<1x1x6400xf32> to vector<1xf32>
    %reduce_sum3A_770 = vector.shape_cast %reduce_sum3A_769 : vector<1xf32> to vector<1x1x1xf32>
    %reduce_sum3A_771 = vector.extract %reduce_sum3A_770[0, 0, 0] : f32 from vector<1x1x1xf32>
    %add3A_772 = arith.constant 0.000000e+00 : f32
    %add3A_773 = arith.addf %add3A_772, %reduce_sum3A_771 : f32
    %reduce_sum3A_774 = vector.shape_cast %convert_element_type3A_752 : vector<1x6400xf32> to vector<1x1x6400xf32>
    %reduce_sum3A_775 = arith.constant dense<0.000000e+00> : vector<1xf32>
    %reduce_sum3A_776 = vector.multi_reduction <add>, %reduce_sum3A_774, %reduce_sum3A_775 [1, 2] : vector<1x1x6400xf32> to vector<1xf32>
    %reduce_sum3A_777 = vector.shape_cast %reduce_sum3A_776 : vector<1xf32> to vector<1x1x1xf32>
    %reduce_sum3A_778 = vector.extract %reduce_sum3A_777[0, 0, 0] : f32 from vector<1x1x1xf32>
    %add3A_779 = arith.constant 0.000000e+00 : f32
    %add3A_780 = arith.addf %add3A_779, %reduce_sum3A_778 : f32
    %get3A_781 = arith.constant 0 : index
    %get3A_782 = arith.constant 0 : index
    %get3A_783 = arith.constant 0 : index
    %get3A_784 = vector.load %arg7[%get3A_781, %get3A_782, %get3A_783] : memref<1x1x1600xf32, #tpu.memory_space<vmem>>, vector<1x1x1600xf32>
    %get3A_785 = vector.shape_cast %get3A_784 : vector<1x1x1600xf32> to vector<1x1600xf32>
    %get3A_786 = arith.constant 0 : index
    %get3A_787 = arith.constant 0 : index
    %get3A_788 = arith.constant 0 : index
    %get3A_789 = vector.load %arg8[%get3A_786, %get3A_787, %get3A_788] : memref<1x1x1600xf32, #tpu.memory_space<vmem>>, vector<1x1x1600xf32>
    %get3A_790 = vector.shape_cast %get3A_789 : vector<1x1x1600xf32> to vector<1x1600xf32>
    %add3A_791 = arith.addf %get3A_785, %get3A_790 : vector<1x1600xf32>
    %gt3A_792 = arith.constant 0.000000e+00 : f32
    %gt3A_793 = vector.broadcast %gt3A_792 : f32 to vector<1x1600xf32>
    %gt3A_794 = arith.cmpf ogt, %add3A_791, %gt3A_793 : vector<1x1600xf32>
    %convert_element_type3A_795 = arith.extui %gt3A_794 : vector<1x1600xi1> to vector<1x1600xi32>
    %convert_element_type3A_796 = arith.sitofp %convert_element_type3A_795 : vector<1x1600xi32> to vector<1x1600xf32>
    %slice3A_797 = vector.extract_strided_slice %slice3A_736 {offsets = [0, 6400], sizes = [1, 1600], strides = [1, 1]} : vector<1x8400xf32> to vector<1x1600xf32>
    %max3A_798 = arith.constant 0.000000e+00 : f32
    %max3A_799 = vector.broadcast %max3A_798 : f32 to vector<1x1600xf32>
    %max3A_800 = arith.maximumf %slice3A_797, %max3A_799 : vector<1x1600xf32>
    %abs3A_801 = math.absf %slice3A_797 : vector<1x1600xf32>
    %neg3A_802 = arith.constant 0.000000e+00 : f32
    %neg3A_803 = vector.broadcast %neg3A_802 : f32 to vector<1x1600xf32>
    %neg3A_804 = arith.subf %neg3A_803, %abs3A_801 : vector<1x1600xf32>
    %exp3A_805 = math.exp %neg3A_804 : vector<1x1600xf32>
    %log1p3A_806 = math.log1p %exp3A_805 : vector<1x1600xf32>
    %add3A_807 = arith.addf %max3A_800, %log1p3A_806 : vector<1x1600xf32>
    %mul3A_808 = arith.mulf %slice3A_797, %get3A_790 : vector<1x1600xf32>
    %sub3A_809 = arith.subf %add3A_807, %mul3A_808 : vector<1x1600xf32>
    %mul3A_810 = arith.mulf %sub3A_809, %convert_element_type3A_796 : vector<1x1600xf32>
    %reduce_sum3A_811 = vector.shape_cast %mul3A_810 : vector<1x1600xf32> to vector<1x1x1600xf32>
    %reduce_sum3A_812 = arith.constant dense<0.000000e+00> : vector<1xf32>
    %reduce_sum3A_813 = vector.multi_reduction <add>, %reduce_sum3A_811, %reduce_sum3A_812 [1, 2] : vector<1x1x1600xf32> to vector<1xf32>
    %reduce_sum3A_814 = vector.shape_cast %reduce_sum3A_813 : vector<1xf32> to vector<1x1x1xf32>
    %reduce_sum3A_815 = vector.extract %reduce_sum3A_814[0, 0, 0] : f32 from vector<1x1x1xf32>
    %add3A_816 = arith.addf %add3A_773, %reduce_sum3A_815 : f32
    %reduce_sum3A_817 = vector.shape_cast %convert_element_type3A_796 : vector<1x1600xf32> to vector<1x1x1600xf32>
    %reduce_sum3A_818 = arith.constant dense<0.000000e+00> : vector<1xf32>
    %reduce_sum3A_819 = vector.multi_reduction <add>, %reduce_sum3A_817, %reduce_sum3A_818 [1, 2] : vector<1x1x1600xf32> to vector<1xf32>
    %reduce_sum3A_820 = vector.shape_cast %reduce_sum3A_819 : vector<1xf32> to vector<1x1x1xf32>
    %reduce_sum3A_821 = vector.extract %reduce_sum3A_820[0, 0, 0] : f32 from vector<1x1x1xf32>
    %add3A_822 = arith.addf %add3A_780, %reduce_sum3A_821 : f32
    %get3A_823 = arith.constant 0 : index
    %get3A_824 = arith.constant 0 : index
    %get3A_825 = arith.constant 0 : index
    %get3A_826 = vector.load %arg9[%get3A_823, %get3A_824, %get3A_825] : memref<1x1x400xf32, #tpu.memory_space<vmem>>, vector<1x1x400xf32>
    %get3A_827 = vector.shape_cast %get3A_826 : vector<1x1x400xf32> to vector<1x400xf32>
    %get3A_828 = arith.constant 0 : index
    %get3A_829 = arith.constant 0 : index
    %get3A_830 = arith.constant 0 : index
    %get3A_831 = vector.load %arg10[%get3A_828, %get3A_829, %get3A_830] : memref<1x1x400xf32, #tpu.memory_space<vmem>>, vector<1x1x400xf32>
    %get3A_832 = vector.shape_cast %get3A_831 : vector<1x1x400xf32> to vector<1x400xf32>
    %add3A_833 = arith.addf %get3A_827, %get3A_832 : vector<1x400xf32>
    %gt3A_834 = arith.constant 0.000000e+00 : f32
    %gt3A_835 = vector.broadcast %gt3A_834 : f32 to vector<1x400xf32>
    %gt3A_836 = arith.cmpf ogt, %add3A_833, %gt3A_835 : vector<1x400xf32>
    %convert_element_type3A_837 = arith.extui %gt3A_836 : vector<1x400xi1> to vector<1x400xi32>
    %convert_element_type3A_838 = arith.sitofp %convert_element_type3A_837 : vector<1x400xi32> to vector<1x400xf32>
    %slice3A_839 = vector.extract_strided_slice %slice3A_736 {offsets = [0, 8000], sizes = [1, 400], strides = [1, 1]} : vector<1x8400xf32> to vector<1x400xf32>
    %max3A_840 = arith.constant 0.000000e+00 : f32
    %max3A_841 = vector.broadcast %max3A_840 : f32 to vector<1x400xf32>
    %max3A_842 = arith.maximumf %slice3A_839, %max3A_841 : vector<1x400xf32>
    %abs3A_843 = math.absf %slice3A_839 : vector<1x400xf32>
    %neg3A_844 = arith.constant 0.000000e+00 : f32
    %neg3A_845 = vector.broadcast %neg3A_844 : f32 to vector<1x400xf32>
    %neg3A_846 = arith.subf %neg3A_845, %abs3A_843 : vector<1x400xf32>
    %exp3A_847 = math.exp %neg3A_846 : vector<1x400xf32>
    %log1p3A_848 = math.log1p %exp3A_847 : vector<1x400xf32>
    %add3A_849 = arith.addf %max3A_842, %log1p3A_848 : vector<1x400xf32>
    %mul3A_850 = arith.mulf %slice3A_839, %get3A_832 : vector<1x400xf32>
    %sub3A_851 = arith.subf %add3A_849, %mul3A_850 : vector<1x400xf32>
    %mul3A_852 = arith.mulf %sub3A_851, %convert_element_type3A_838 : vector<1x400xf32>
    %reduce_sum3A_853 = vector.shape_cast %mul3A_852 : vector<1x400xf32> to vector<1x1x400xf32>
    %reduce_sum3A_854 = arith.constant dense<0.000000e+00> : vector<1xf32>
    %reduce_sum3A_855 = vector.multi_reduction <add>, %reduce_sum3A_853, %reduce_sum3A_854 [1, 2] : vector<1x1x400xf32> to vector<1xf32>
    %reduce_sum3A_856 = vector.shape_cast %reduce_sum3A_855 : vector<1xf32> to vector<1x1x1xf32>
    %reduce_sum3A_857 = vector.extract %reduce_sum3A_856[0, 0, 0] : f32 from vector<1x1x1xf32>
    %add3A_858 = arith.addf %add3A_816, %reduce_sum3A_857 : f32
    %reduce_sum3A_859 = vector.shape_cast %convert_element_type3A_838 : vector<1x400xf32> to vector<1x1x400xf32>
    %reduce_sum3A_860 = arith.constant dense<0.000000e+00> : vector<1xf32>
    %reduce_sum3A_861 = vector.multi_reduction <add>, %reduce_sum3A_859, %reduce_sum3A_860 [1, 2] : vector<1x1x400xf32> to vector<1xf32>
    %reduce_sum3A_862 = vector.shape_cast %reduce_sum3A_861 : vector<1xf32> to vector<1x1x1xf32>
    %reduce_sum3A_863 = vector.extract %reduce_sum3A_862[0, 0, 0] : f32 from vector<1x1x1xf32>
    %add3A_864 = arith.addf %add3A_822, %reduce_sum3A_863 : f32
    %iota3A_865 = tpu.iota {dimensions = array<i32: 2>} : vector<1x1x128xi32>
    %convert_element_type3A_866 = arith.sitofp %iota3A_865 : vector<1x1x128xi32> to vector<1x1x128xf32>
    %eq3A_867 = arith.constant 0.000000e+00 : f32
    %eq3A_868 = vector.broadcast %eq3A_867 : f32 to vector<1x1x128xf32>
    %eq3A_869 = arith.cmpf oeq, %convert_element_type3A_866, %eq3A_868 : vector<1x1x128xf32>
    %jit3A_870 = arith.constant 0.000000e+00 : f32
    %broadcast_in_dim3A_871 = vector.broadcast %reduce_sum3A_690 : f32 to vector<1x1x128xf32>
    %broadcast_in_dim3A_872 = vector.broadcast %jit3A_870 : f32 to vector<1x1x128xf32>
    %select_n3A_873 = arith.select %eq3A_869, %broadcast_in_dim3A_871, %broadcast_in_dim3A_872 : vector<1x1x128xi1>, vector<1x1x128xf32>
    %eq3A_874 = arith.constant 1.000000e+00 : f32
    %eq3A_875 = vector.broadcast %eq3A_874 : f32 to vector<1x1x128xf32>
    %eq3A_876 = arith.cmpf oeq, %convert_element_type3A_866, %eq3A_875 : vector<1x1x128xf32>
    %jit3A_877 = arith.constant 0.000000e+00 : f32
    %broadcast_in_dim3A_878 = vector.broadcast %reduce_sum3A_674 : f32 to vector<1x1x128xf32>
    %broadcast_in_dim3A_879 = vector.broadcast %jit3A_877 : f32 to vector<1x1x128xf32>
    %select_n3A_880 = arith.select %eq3A_876, %broadcast_in_dim3A_878, %broadcast_in_dim3A_879 : vector<1x1x128xi1>, vector<1x1x128xf32>
    %add3A_881 = arith.addf %select_n3A_873, %select_n3A_880 : vector<1x1x128xf32>
    %eq3A_882 = arith.constant 2.000000e+00 : f32
    %eq3A_883 = vector.broadcast %eq3A_882 : f32 to vector<1x1x128xf32>
    %eq3A_884 = arith.cmpf oeq, %convert_element_type3A_866, %eq3A_883 : vector<1x1x128xf32>
    %jit3A_885 = arith.constant 0.000000e+00 : f32
    %broadcast_in_dim3A_886 = vector.broadcast %sub3A_735 : f32 to vector<1x1x128xf32>
    %broadcast_in_dim3A_887 = vector.broadcast %jit3A_885 : f32 to vector<1x1x128xf32>
    %select_n3A_888 = arith.select %eq3A_884, %broadcast_in_dim3A_886, %broadcast_in_dim3A_887 : vector<1x1x128xi1>, vector<1x1x128xf32>
    %add3A_889 = arith.addf %add3A_881, %select_n3A_888 : vector<1x1x128xf32>
    %eq3A_890 = arith.constant 3.000000e+00 : f32
    %eq3A_891 = vector.broadcast %eq3A_890 : f32 to vector<1x1x128xf32>
    %eq3A_892 = arith.cmpf oeq, %convert_element_type3A_866, %eq3A_891 : vector<1x1x128xf32>
    %jit3A_893 = arith.constant 0.000000e+00 : f32
    %broadcast_in_dim3A_894 = vector.broadcast %add3A_858 : f32 to vector<1x1x128xf32>
    %broadcast_in_dim3A_895 = vector.broadcast %jit3A_893 : f32 to vector<1x1x128xf32>
    %select_n3A_896 = arith.select %eq3A_892, %broadcast_in_dim3A_894, %broadcast_in_dim3A_895 : vector<1x1x128xi1>, vector<1x1x128xf32>
    %add3A_897 = arith.addf %add3A_889, %select_n3A_896 : vector<1x1x128xf32>
    %eq3A_898 = arith.constant 4.000000e+00 : f32
    %eq3A_899 = vector.broadcast %eq3A_898 : f32 to vector<1x1x128xf32>
    %eq3A_900 = arith.cmpf oeq, %convert_element_type3A_866, %eq3A_899 : vector<1x1x128xf32>
    %jit3A_901 = arith.constant 0.000000e+00 : f32
    %broadcast_in_dim3A_902 = vector.broadcast %reduce_sum3A_598 : f32 to vector<1x1x128xf32>
    %broadcast_in_dim3A_903 = vector.broadcast %jit3A_901 : f32 to vector<1x1x128xf32>
    %select_n3A_904 = arith.select %eq3A_900, %broadcast_in_dim3A_902, %broadcast_in_dim3A_903 : vector<1x1x128xi1>, vector<1x1x128xf32>
    %add3A_905 = arith.addf %add3A_897, %select_n3A_904 : vector<1x1x128xf32>
    %eq3A_906 = arith.constant 5.000000e+00 : f32
    %eq3A_907 = vector.broadcast %eq3A_906 : f32 to vector<1x1x128xf32>
    %eq3A_908 = arith.cmpf oeq, %convert_element_type3A_866, %eq3A_907 : vector<1x1x128xf32>
    %jit3A_909 = arith.constant 0.000000e+00 : f32
    %broadcast_in_dim3A_910 = vector.broadcast %reduce_sum3A_603 : f32 to vector<1x1x128xf32>
    %broadcast_in_dim3A_911 = vector.broadcast %jit3A_909 : f32 to vector<1x1x128xf32>
    %select_n3A_912 = arith.select %eq3A_908, %broadcast_in_dim3A_910, %broadcast_in_dim3A_911 : vector<1x1x128xi1>, vector<1x1x128xf32>
    %add3A_913 = arith.addf %add3A_905, %select_n3A_912 : vector<1x1x128xf32>
    %eq3A_914 = arith.constant 6.000000e+00 : f32
    %eq3A_915 = vector.broadcast %eq3A_914 : f32 to vector<1x1x128xf32>
    %eq3A_916 = arith.cmpf oeq, %convert_element_type3A_866, %eq3A_915 : vector<1x1x128xf32>
    %jit3A_917 = arith.constant 0.000000e+00 : f32
    %broadcast_in_dim3A_918 = vector.broadcast %add3A_864 : f32 to vector<1x1x128xf32>
    %broadcast_in_dim3A_919 = vector.broadcast %jit3A_917 : f32 to vector<1x1x128xf32>
    %select_n3A_920 = arith.select %eq3A_916, %broadcast_in_dim3A_918, %broadcast_in_dim3A_919 : vector<1x1x128xi1>, vector<1x1x128xf32>
    %add3A_921 = arith.addf %add3A_913, %select_n3A_920 : vector<1x1x128xf32>
    %swap3A = arith.constant 0 : index
    %swap3A_922 = arith.constant 0 : index
    %swap3A_923 = arith.constant 0 : index
    %swap3A_924 = vector.load %arg11[%swap3A, %swap3A_922, %swap3A_923] : memref<1x1x128xf32, #tpu.memory_space<vmem>>, vector<1x1x128xf32>
    tpu.vector_store %arg11[%swap3A, %swap3A_922, %swap3A_923], %add3A_921 {strides = array<i32>} : memref<1x1x128xf32, #tpu.memory_space<vmem>>, vector<1x1x128xf32>,
    return
  }
  func.func @transform_0(%arg0: i32) -> (i32, i32, i32) {
    %c0_i32 = arith.constant 0 : i32
    %c0_i32_0 = arith.constant 0 : i32
    %c0_i32_1 = arith.constant 0 : i32
    return %arg0, %c0_i32, %c0_i32_0 : i32, i32, i32
  }
  func.func @transform_1(%arg0: i32) -> (i32, i32, i32) {
    %c0_i32 = arith.constant 0 : i32
    %c0_i32_0 = arith.constant 0 : i32
    %c0_i32_1 = arith.constant 0 : i32
    return %arg0, %c0_i32, %c0_i32_0 : i32, i32, i32
  }
  func.func @transform_2(%arg0: i32) -> (i32, i32) {
    %c0_i32 = arith.constant 0 : i32
    %c0_i32_0 = arith.constant 0 : i32
    %c0_i32_1 = arith.constant 0 : i32
    return %c0_i32, %c0_i32_0 : i32, i32
  }
  func.func @transform_3(%arg0: i32) -> (i32, i32) {
    %c0_i32 = arith.constant 0 : i32
    %c0_i32_0 = arith.constant 0 : i32
    %c0_i32_1 = arith.constant 0 : i32
    return %c0_i32, %c0_i32_0 : i32, i32
  }
  func.func @transform_4(%arg0: i32) -> (i32, i32, i32) {
    %c0_i32 = arith.constant 0 : i32
    %c0_i32_0 = arith.constant 0 : i32
    %c0_i32_1 = arith.constant 0 : i32
    return %arg0, %c0_i32, %c0_i32_0 : i32, i32, i32
  }
  func.func @transform_5(%arg0: i32) -> (i32, i32, i32) {
    %c0_i32 = arith.constant 0 : i32
    %c0_i32_0 = arith.constant 0 : i32
    %c0_i32_1 = arith.constant 0 : i32
    return %arg0, %c0_i32, %c0_i32_0 : i32, i32, i32
  }
  func.func @transform_6(%arg0: i32) -> (i32, i32, i32) {
    %c0_i32 = arith.constant 0 : i32
    %c0_i32_0 = arith.constant 0 : i32
    %c0_i32_1 = arith.constant 0 : i32
    return %arg0, %c0_i32, %c0_i32_0 : i32, i32, i32
  }
  func.func @transform_7(%arg0: i32) -> (i32, i32, i32) {
    %c0_i32 = arith.constant 0 : i32
    %c0_i32_0 = arith.constant 0 : i32
    %c0_i32_1 = arith.constant 0 : i32
    return %arg0, %c0_i32, %c0_i32_0 : i32, i32, i32
  }
  func.func @transform_8(%arg0: i32) -> (i32, i32, i32) {
    %c0_i32 = arith.constant 0 : i32
    %c0_i32_0 = arith.constant 0 : i32
    %c0_i32_1 = arith.constant 0 : i32
    return %arg0, %c0_i32, %c0_i32_0 : i32, i32, i32
  }
  func.func @transform_9(%arg0: i32) -> (i32, i32, i32) {
    %c0_i32 = arith.constant 0 : i32
    %c0_i32_0 = arith.constant 0 : i32
    %c0_i32_1 = arith.constant 0 : i32
    return %arg0, %c0_i32, %c0_i32_0 : i32, i32, i32
  }
  func.func @transform_10(%arg0: i32) -> (i32, i32, i32) {
    %c0_i32 = arith.constant 0 : i32
    %c0_i32_0 = arith.constant 0 : i32
    %c0_i32_1 = arith.constant 0 : i32
    return %arg0, %c0_i32, %c0_i32_0 : i32, i32, i32
  }
}

</mosaic_0001>

<sc_bundles>
// kernel: kernel.4.cloned.1.call-start
scs
__scs_entry_jumppad:
0x0: {  	(pc) =	sbr.rel $0x88, $3  }
0x1: {  	(tag) =	ssettag $0x0;
	lr =	simm.s32 $0x1  }
0x2: {  	[smem:$0x3F9C] =	sst lr;
	_ =	strace $0xD0000000  }
0x3: {  	_ = 	snop  }
0x4: {  	_ = 	snop  }
0x5: {  	_ = 	snop  }
0x6: {  	_ = 	snop  }
0x7: {  	_ = 	snop  }
__scs_overlays_trampoline_lowered:
0x8: {  	[smem:$0x3FAB] =	sst s0  }
0x9: {  	[smem:$0x3FAC] =	sst s1  }
0xa: {  	[smem:$0x3FAD] =	sst s2  }
0xb: {  	[smem:$0x3FAE] =	sst s3  }
0xc: {  	[smem:$0x3FAF] =	sst s4  }
0xd: {  	[smem:$0x3FB0] =	sst s5  }
0xe: {  	[smem:$0x3FB1] =	sst s6  }
0xf: {  	[smem:$0x3FB2] =	sst s7  }
0x10: {  	[smem:$0x3FB3] =	sst s8  }
0x11: {  	[smem:$0x3FB4] =	sst s9;
	s0 =	simm.s32 @!p0 $0x0  }
0x12: {  	s1 =	sld [smem:$0x3F9A];
	s0 =	simm.s32 @p0 $0x1  }
0x13: {  	[smem:$0x3FB5] =	sst s0;
	s0 =	simm.s32 @!p1 $0x0  }
0x14: {  	s2 =	sld [smem:$0x3F99];
	s0 =	simm.s32 @p1 $0x1  }
0x15: {  	[smem:$0x3FB6] =	sst s0;
	s0 =	simm.s32 @!p2 $0x0  }
0x16: {  	s3 =	sld [smem:$0x3FDB];
	s0 =	simm.s32 @p2 $0x1  }
0x17: {  	s4 =	simm.s32 $0x1BF5;
	[smem:$0x3FB8] =	sst s0  }
0x18: {  	s0 =	sld [smem:$0x3F9B];
	_ =	swait.ge [sflag:s4], $0x0  }
0x19: {  	s7 =	sld [smem:$0x3F9C]  }
0x1a: {  	s8 =	sadd.s32 $0xFFFFE003, lr  }
0x1b: {  	s9 =	sadd.s32 $0xFFFFFEF7, lr;
	s5 =	simm.s32 $0xFFFFFFFF;
	p2 =	slt.u32 s8, $0xFFFFF086  }
0x1c: {  	p1 =	slt.u32 s9, $0xF7A;
	s5 =	simm.s32 @!p2 $0x0  }
0x1d: {  	s5 =	simm.s32 @p1 $0x1;
	p0 =	seq.s32 s7, s2  }
0x1e: {  	s7 =	smul.u32 @!p0 $0xF7A, s2;
	p2 =	seq.s32 @!p0 s5, $0x0  }
0x1f: {  	s9 =	smul.u32 $0xF7A, s1;
	s8 =	simm.s32 @!p0 $0x1BF5;
	p2 =	por !p2, p0  }
0x20: {  	[sflag:s8] =	ssyncset.s32 @!p0 $0xFFFFF086;
	s6 =	sadd.s32 @!p0 s3, s7;
	s7 =	simm.s32 @!p0 $0x108  }
0x21: {  	s3 =	sadd.s32 s3, s9;
	s6 =	sadd.s32 @!p0 $0x88, s6;
	s7 =	simm.s32 @p2 $0x1082  }
0x22: {  	[simem:s7], [sflag:s8] =	dma.local @!p0 [hbm:s6], $0xF7A  }
0x23: {  	s9 =	sor.u32 $0xD0000000, s2;
	s6 =	simm.s32 $0x108;
	_ =	swait.ge @!p0 [sflag:s8], $0x0  }
0x24: {  	s3 =	sadd.s32 $0x88, s3;
	s6 =	simm.s32 @!p1 $0x1082;
	[sflag:s4] =	ssyncset.s32 $0xFFFFF086  }
0x25: {  	[simem:s6], [sflag:s4] =	dma.local [hbm:s3], $0xF7A  }
0x26: {  	[smem:$0x3F9C] =	sst s1;
	(tag) =	ssettag s2;
	_ =	strace s9  }
0x27: {  	s1 =	sld [smem:$0x3FAC]  }
0x28: {  	s2 =	sld [smem:$0x3FAD]  }
0x29: {  	s4 =	sld [smem:$0x3FAF]  }
0x2a: {  	p0 =	seq.s32 s5, $0x0;
	s5 =	sld [smem:$0x3FB0]  }
0x2b: {  	s6 =	sld [smem:$0x3FB1]  }
0x2c: {  	s7 =	sld [smem:$0x3FB2]  }
0x2d: {  	s3 =	simm.s32 $0x108;
	s8 =	sld [smem:$0x3FB3]  }
0x2e: {  	s3 =	simm.s32 @!p0 $0x1082;
	s9 =	sld [smem:$0x3FB4]  }
0x2f: {  	lr =	sadd.s32 s0, s3;
	s0 =	sld [smem:$0x3FAB]  }
0x30: {  	s3 =	sld [smem:$0x3FAE]  }
0x31: {  	[smem:$0x3FB7] =	sst s10  }
0x32: {  	s10 =	sld [smem:$0x3FB5];
	_ =	sdelay $0x3  }
0x33: {  	p0 =	seq.s32 s10, $0x1;
	s10 =	sld [smem:$0x3FB7];
	_ =	sdelay $0x3  }
0x34: {  	[smem:$0x3FB7] =	sst s10  }
0x35: {  	s10 =	sld [smem:$0x3FB6];
	_ =	sdelay $0x3  }
0x36: {  	p1 =	seq.s32 s10, $0x1;
	s10 =	sld [smem:$0x3FB7];
	_ =	sdelay $0x3  }
0x37: {  	[smem:$0x3FB7] =	sst s10  }
0x38: {  	s10 =	sld [smem:$0x3FB8]  }
0x39: {  	_ = 	snop;
	(pc) =	sbr.ind lr, $3  }
0x3a: {  	_ = 	snop  }
0x3b: {  	_ = 	snop  }
0x3c: {  	p2 =	seq.s32 s10, $0x1;
	s10 =	sld [smem:$0x3FB7]  }
0x3d: {  	_ =	shalt  }
0x3e: {  	_ =	shalt  }
0x3f: {  	_ =	shalt  }
0x40: {  	_ =	shalt  }
0x41: {  	_ =	shalt  }
0x42: {  	_ =	shalt  }
0x43: {  	_ =	shalt  }
0x44: {  	_ =	shalt  }
0x45: {  	_ =	shalt  }
0x46: {  	_ =	shalt  }
0x47: {  	_ =	shalt  }
0x48: {  	_ =	shalt  }
0x49: {  	_ =	shalt  }
0x4a: {  	_ =	shalt  }
0x4b: {  	_ =	shalt  }
0x4c: {  	_ =	shalt  }
0x4d: {  	_ =	shalt  }
0x4e: {  	_ =	shalt  }
0x4f: {  	_ =	shalt  }
0x50: {  	_ =	shalt  }
0x51: {  	_ =	shalt  }
0x52: {  	_ =	shalt  }
0x53: {  	_ =	shalt  }
0x54: {  	_ =	shalt  }
0x55: {  	_ =	shalt  }
0x56: {  	_ =	shalt  }
0x57: {  	_ =	shalt  }
0x58: {  	_ =	shalt  }
0x59: {  	_ =	shalt  }
0x5a: {  	_ =	shalt  }
0x5b: {  	_ =	shalt  }
0x5c: {  	_ =	shalt  }
0x5d: {  	_ =	shalt  }
0x5e: {  	_ =	shalt  }
0x5f: {  	_ =	shalt  }
0x60: {  	_ =	shalt  }
0x61: {  	_ =	shalt  }
0x62: {  	_ =	shalt  }
0x63: {  	_ =	shalt  }
0x64: {  	_ =	shalt  }
0x65: {  	_ =	shalt  }
0x66: {  	_ =	shalt  }
0x67: {  	_ =	shalt  }
0x68: {  	_ =	shalt  }
0x69: {  	_ =	shalt  }
0x6a: {  	_ =	shalt  }
0x6b: {  	_ =	shalt  }
0x6c: {  	_ =	shalt  }
0x6d: {  	_ =	shalt  }
0x6e: {  	_ =	shalt  }
0x6f: {  	_ =	shalt  }
0x70: {  	_ =	shalt  }
0x71: {  	_ =	shalt  }
0x72: {  	_ =	shalt  }
0x73: {  	_ =	shalt  }
0x74: {  	_ =	shalt  }
0x75: {  	_ =	shalt  }
0x76: {  	_ =	shalt  }
0x77: {  	_ =	shalt  }
0x78: {  	_ =	shalt  }
0x79: {  	_ =	shalt  }
0x7a: {  	_ =	shalt  }
0x7b: {  	_ =	shalt  }
0x7c: {  	_ =	shalt  }
0x7d: {  	_ =	shalt  }
0x7e: {  	_ =	shalt  }
0x7f: {  	_ =	shalt  }
0x80: {  	_ =	shalt  }
0x81: {  	_ =	shalt  }
0x82: {  	_ =	shalt  }
0x83: {  	_ =	shalt  }
0x84: {  	_ =	shalt  }
0x85: {  	_ =	shalt  }
0x86: {  	_ =	shalt  }
0x87: {  	_ =	shalt  }
.Lfunc_end0:
.L_simem_size_0:
called_computation_lowered:
.L_overlay_start_0:
0x88: {  	s2 =	sld [smem:$0x3FD9]  }
0x89: {  	s3 =	sld [smem:$0x3FFE];
	_ =	sdelay $0x1  }
0x8a: {  	s1 =	srdreg.scid  }
0x8b: {  	s0 =	sand.u32 $0x1, s1  }
0x8c: {  	s16 =	sshll.u32 s0, $0xA;
	s2 =	sadd.s32 s3, s2  }
0x8d: {  	s2 =	sadd.s32 s2, s16  }
0x8e: {  	[smem:$0x3FC3] =	sst s2  }
0x8f: {  	_ = 	snop  }
0x90: {  	(tm) =	ssettm $0x1  }
0x91: {  	s17 =	sld [smem:$0x3FFB];
	_ =	sdelay $0x3  }
0x92: {  	_ =	strace s17  }
0x93: {  	s2 =	sld [smem:$0x3FFC];
	_ =	sdelay $0x3  }
0x94: {  	_ =	strace s2  }
0x95: {  	s2 =	sld [smem:$0x3FFD];
	_ =	sdelay $0x3  }
0x96: {  	_ =	strace s2  }
0x97: {  	_ =	strace $0x8FFFFFFF  }
0x98: {  	s18 =	sld [smem:$0x3FDB];
	_ =	sdelay $0x1  }
0x99: {  	s19 =	simm.s32 $_scs_section_size  }
0x9a: {  	s4 =	simm.s32 $_size__tile_overlayer_lowered;
	s5 =	simm.s32 $_tile_overlayer_lowered  }
0x9b: {  	s22 =	simm.s32 $0x1BFF;
	s21 =	sshll.u32 s5, $0x1;
	s2 =	sadd.s32 s19, s18  }
0x9c: {  	s6 =	simm.s32 $0x0;
	s20 =	sshll.u32 s4, $0x1;
	s4 =	sadd.s32 s21, s2  }
0x9d: {  	[timem:s6], [sflag:s22] =	dma.local [hbm:s4], s20  }
0x9e: {  	_ =	swait.ge [sflag:s22], s20  }
0x9f: {  	s3 =	ssub.s32 $0x0, s20;
	[sflag:s22] =	ssyncset.done $0x0  }
0xa0: {  	[sflag:s22] =	ssyncadd.s32 s3;
	_ =	sdelay $0x1  }
0xa1: {  	s23 =	simm.s32 $0x1B8B  }
0xa2: {  	_ =	swait.ge [sflag:s23], $0x1  }
0xa3: {  	[sflag:s23] =	ssyncset.done $0x0  }
0xa4: {  	s25 =	simm.s32 $0x1B8E;
	s24 =	sld [smem:$0x3FFE];
	[sflag:s23] =	ssyncadd.s32 $0xFFFFFFFF  }
0xa5: {  	s26 =	simm.s32 $execute0_lowered;
	[smem:$0x3FD2] =	sst s25  }
0xa6: {  	s4 =	sshll.u32 s26, $0x1;
	_ =	strace $0x80000046;
	[dreg:$0x1] =	wrdreg $0xFFFFFFFF  }
0xa7: {  	s28 =	simm.s32 $_size_execute0_lowered;
	s2 =	sadd.s32 s2, s4;
	[dreg:$0x0] =	wrdreg $0x0  }
0xa8: {  	s4 =	sshll.u32 s28, $0x1;
	[dreg:$0x2] =	wrdreg s2  }
0xa9: {  	[dreg:$0x3] =	wrdreg s4  }
0xaa: {  	[dreg:$0x4] =	wrdreg $0xC0  }
0xab: {  	_ =	task [dreg:s6], $0x5FFFF  }
0xac: {  	[dreg:$0x1] =	wrdreg $0xFFFFFFFF  }
0xad: {  	[dreg:$0x0] =	wrdreg $0x60  }
0xae: {  	[dreg:$0x2] =	wrdreg s24  }
0xaf: {  	[dreg:$0x3] =	wrdreg $0x9  }
0xb0: {  	_ =	task.clear_ibuf [dreg:s6], $0x4FFFF;
	_ =	strace $0x90000046  }
0xb1: {  	s29 =	simm.s32 $0x9;
	_ =	strace $0x80000048  }
0xb2: {  	_ =	swait.ge [sflag:s29], $0x1  }
0xb3: {  	[sflag:s29] =	ssyncadd.s32 $0xFFFFFFFF  }
0xb4: {  	_ =	strace $0x90000048  }
0xb5: {  	_ =	sfence  }
0xb6: {  	s30 =	sld [smem:$0x0];
	_ =	sdelay $0x2  }
0xb7: {  	s31 =	sshll.u32 s1, $0xD;
	s1 =	sshrl.u32 s1, $0x2  }
0xb8: {  	s3 =	sand.u32 $0x4000, s31;
	s1 =	sadd.s32 s1, s30  }
0xb9: {  	s0 =	sor.u32 s3, s0;
	s1 =	sshll.u32 s1, $0x11  }
0xba: {  	s0 =	sor.u32 s1, s0  }
0xbb: {  	s0 =	sadd.s32 $0x8F2B, s0  }
0xbc: {  	[sflag:s0] =	ssyncadd.remote.s32 $0x1  }
0xbd: {  	_ =	sfence.sel $0xFFFF  }
0xbe: {  	[dreg:$0x0] =	wrdreg $0xFFFFFFFF;
	(pc) =	sbr.abs _section_cstart, $3  }
0xbf: {  	[dreg:$0x1] =	wrdreg $0xFFFFFFFF  }
0xc0: {  	_ =	task.clear_ibuf [dreg:s6], $0x2FFFF;
	_ =	strace $0x9FFFFFFF  }
0xc1: {  	(tm) =	ssettm $0x7FFFFFFF  }
tec
execute0_lowered:
.L_overlay_start_1:
0x0: {  	(tag) =	ssettag $0x1  }
0x1: {  	s0 =	srdreg.scid  }
0x2: {  	s19 =	stileid.u32;
	s10 =	rddreg [dreg:$0x0]  }
0x3: {  	s2 =	simm.s32 $0x0;
	s18 =	simm.s32 $0x2;
	s21 =	simm.s32 $0x80  }
0x4: {  	s28 =	simm.s32 $0x9880;
	s29 =	simm.s32 $0xA080;
	s30 =	simm.s32 $0xA880  }
0x5: {  	s31 =	simm.s32 $0xB080;
	s0 =	sand.u32 $0x1, s0;
	s1 =	sshll.u32 s19, $0x1  }
0x6: {  	s20 =	simm.s32 $0x0;
	[smem:$0x7FF] =	sst s2;
	s3 =	sor.u32 s0, s1  }
0x7: {  	s8 =	sadd.s32 $0x1800, s10;
	s9 =	sadd.s32 $0x1900, s10;
	s4 =	smul.u32 $0x5, s3  }
0x8: {  	p1 =	sgt.u32 s19, $0x9;
	p2 =	slt.u32 s19, $0xE;
	s5 =	smul.u32 $0x140, s3  }
0x9: {  	s19 =	simm.s32 $0x1;
	_ =	strace $0x80000047;
	s6 =	smul.u32 $0x640, s3  }
0xa: {  	s0 =	ssub.s32 $0x2, s0;
	s1 =	sadd.s32 $0xFFFFFFEC, s1;
	s7 =	smul.u32 $0x320, s3  }
0xb: {  	s3 =	sadd.s32 $0x1600, s10;
	s26 =	sshrl.u32 s0, $0x1;
	p0 =	sgt.u32 s1, $0x7  }
0xc: {  	s1 =	simm.s32 $0xB880;
	s0 =	ssub.s32 s0, s26;
	s26 =	simm.s32 $0x9080  }
0xd: {  	s4 =	sadd.s32 s4, s10;
	s12 =	sadd.s32 s5, s10;
	s24 =	sadd.s32 $0xFFFF8300, s6  }
0xe: {  	s25 =	sadd.s32 $0xFFFFA880, s7;
	s7 =	sadd.s32 $0x1700, s10;
	s17 =	smax.u32 s0, $0x1  }
0xf: {  	s0 =	simm.s32 $0xC080;
	s5 =	sshrl.u32 s24, $0x3;
	s6 =	sshrl.u32 s25, $0x3  }
0x10: {  	s4 =	sadd.s32 $0xC9600, s4;
	s11 =	sadd.s32 $0xCFC00, s12;
	s14 =	sadd.s32 s5, s10  }
0x11: {  	v2 =	vlaneseq.u32;
	s16 =	sadd.s32 s6, s10;
	s5 =	sadd.s32 $0xC9800, s12;
	s6 =	sadd.s32 $0xCC000, s12  }
0x12: {  	vm0 =	vmmov $0xffff;
	v1 =	vshrl.u32 v2, $0x3;
	s10 =	sadd.s32 $0x1A00, s10;
	s12 =	sadd.s32 $0xD1600, s12;
	s13 =	sadd.s32 $0xCE800, s14  }
0x13: {  	v0 =	vand.u32 $0x7, v2;
	v2 =	vor.u32 $0x8, v2;
	v1 =	vmul.u32 $0x8, v1;
	s14 =	sadd.s32 $0xCF000, s14;
	s15 =	sadd.s32 $0xCF800, s16;
	s16 =	sadd.s32 $0xCFA00, s16  }
.LBB2_1:
0x14: {  	[tilespmem:s2], [sflag:$0x2] =	stream.linear.gather [hbm4b:s4+s2], $0x28, $0x38;
	[tilespmem:$0xF080] =	vst v63  }
0x15: {  	_ =	swait.ge [sflag:s18], $0x28  }
0x16: {  	[sflag:s18] =	ssyncset.done $0x0  }
0x17: {  	s22 =	simm.s32 $0xC880;
	[sflag:s18] =	ssyncadd.s32 $0xFFFFFFD8  }
0x18: {  	[tilespmem:s22], [sflag:$0x2] =	stream.linear.gather [hbm4b:s5+s2], $0xA00, $0x38;
	[tilespmem:$0xF080] =	vst v63  }
0x19: {  	_ =	swait.ge [sflag:s18], $0xA00  }
0x1a: {  	[sflag:s18] =	ssyncset.done $0x0  }
0x1b: {  	s23 =	simm.s32 $0xD280;
	[sflag:s18] =	ssyncadd.s32 $0xFFFFF600  }
0x1c: {  	[tilespmem:s23], [sflag:$0x2] =	stream.linear.gather [hbm4b:s6+s2], $0xA00, $0x38;
	[tilespmem:$0xF080] =	vst v63  }
0x1d: {  	_ =	swait.ge [sflag:s18], $0xA00  }
0x1e: {  	[sflag:s18] =	ssyncset.done $0x0  }
0x1f: {  	[sflag:s18] =	ssyncadd.s32 $0xFFFFF600  }
0x20: {  	v3 =	vld [tilespmem:$0x0];
	_ =	sdelay $0x4  }
0x21: {  	v4 =	vshrl.u32 v3, $0x3  }
0x22: {  	v4 =	vmul.u32 $0x50, v4  }
0x23: {  	v3 =	vand.u32 $0x7, v3  }
0x24: {  	v3 =	vor.u32 v3, v4  }
0x25: {  	v4 =	vperm.xlane v3, v0;
	_ =	sdelay $0x1  }
0x26: {  	v4 =	vadd.s32 v1, v4;
	_ =	sdelay $0x4  }
0x27: {  	[tilespmem:s21], [sflag:$0x1] =	stream.indirect_vreg.gather [hbm4b:s3+s2], $0x80, v4, vm0, $0xb8;
	[tilespmem:$0xF080] =	vst v63  }
0x28: {  	s24 =	simm.s32 $0x880  }
0x29: {  	[tilespmem:s24], [sflag:$0x1] =	stream.indirect_vreg.gather [hbm4b:s7+s2], $0x80, v4, vm0, $0xb8;
	[tilespmem:$0xF080] =	vst v63  }
0x2a: {  	s25 =	simm.s32 $0x1080;
	v3 =	vperm.xlane v3, v2  }
0x2b: {  	[tilespmem:s25], [sflag:$0x1] =	stream.indirect_vreg.gather [hbm4b:s8+s2], $0x80, v4, vm0, $0xb8;
	[tilespmem:$0xF080] =	vst v63  }
0x2c: {  	s23 =	simm.s32 $0x1880;
	v3 =	vadd.s32 v1, v3  }
0x2d: {  	[tilespmem:s23], [sflag:$0x1] =	stream.indirect_vreg.gather [hbm4b:s9+s2], $0x80, v4, vm0, $0xb8;
	[tilespmem:$0xF080] =	vst v63  }
0x2e: {  	s24 =	simm.s32 $0x2080  }
0x2f: {  	[tilespmem:s24], [sflag:$0x1] =	stream.indirect_vreg.gather [hbm4b:s10+s2], $0x80, v4, vm0, $0xb8;
	[tilespmem:$0xF080] =	vst v63  }
0x30: {  	s25 =	simm.s32 $0x2880  }
0x31: {  	[tilespmem:s25], [sflag:$0x1] =	stream.indirect_vreg.gather [hbm4b:s3+s2], $0x80, v3, vm0, $0xb8;
	[tilespmem:$0xF080] =	vst v63  }
0x32: {  	s23 =	simm.s32 $0x3080  }
0x33: {  	[tilespmem:s23], [sflag:$0x1] =	stream.indirect_vreg.gather [hbm4b:s7+s2], $0x80, v3, vm0, $0xb8;
	[tilespmem:$0xF080] =	vst v63  }
0x34: {  	s24 =	simm.s32 $0x3880  }
0x35: {  	[tilespmem:s24], [sflag:$0x1] =	stream.indirect_vreg.gather [hbm4b:s8+s2], $0x80, v3, vm0, $0xb8;
	[tilespmem:$0xF080] =	vst v63  }
0x36: {  	s25 =	simm.s32 $0x4080  }
0x37: {  	[tilespmem:s25], [sflag:$0x1] =	stream.indirect_vreg.gather [hbm4b:s9+s2], $0x80, v3, vm0, $0xb8;
	[tilespmem:$0xF080] =	vst v63  }
0x38: {  	s23 =	simm.s32 $0x4880  }
0x39: {  	[tilespmem:s23], [sflag:$0x1] =	stream.indirect_vreg.gather [hbm4b:s10+s2], $0x80, v3, vm0, $0xb8;
	[tilespmem:$0xF080] =	vst v63  }
0x3a: {  	v3 =	vld [tilespmem:$0x10];
	_ =	sdelay $0x4  }
0x3b: {  	v4 =	vshrl.u32 v3, $0x3  }
0x3c: {  	v4 =	vmul.u32 $0x50, v4  }
0x3d: {  	v3 =	vand.u32 $0x7, v3  }
0x3e: {  	v3 =	vor.u32 v3, v4  }
0x3f: {  	v4 =	vperm.xlane v3, v0;
	_ =	sdelay $0x1  }
0x40: {  	v4 =	vadd.s32 v1, v4;
	_ =	sdelay $0x3  }
0x41: {  	s24 =	simm.s32 $0x5080  }
0x42: {  	[tilespmem:s24], [sflag:$0x1] =	stream.indirect_vreg.gather [hbm4b:s3+s2], $0x80, v4, vm0, $0xb8;
	[tilespmem:$0xF080] =	vst v63  }
0x43: {  	s25 =	simm.s32 $0x5880  }
0x44: {  	[tilespmem:s25], [sflag:$0x1] =	stream.indirect_vreg.gather [hbm4b:s7+s2], $0x80, v4, vm0, $0xb8;
	[tilespmem:$0xF080] =	vst v63  }
0x45: {  	s23 =	simm.s32 $0x6080;
	v3 =	vperm.xlane v3, v2  }
0x46: {  	[tilespmem:s23], [sflag:$0x1] =	stream.indirect_vreg.gather [hbm4b:s8+s2], $0x80, v4, vm0, $0xb8;
	[tilespmem:$0xF080] =	vst v63  }
0x47: {  	v3 =	vadd.s32 v1, v3;
	s24 =	simm.s32 $0x6880  }
0x48: {  	[tilespmem:s24], [sflag:$0x1] =	stream.indirect_vreg.gather [hbm4b:s9+s2], $0x80, v4, vm0, $0xb8;
	[tilespmem:$0xF080] =	vst v63  }
0x49: {  	s25 =	simm.s32 $0x7080  }
0x4a: {  	[tilespmem:s25], [sflag:$0x1] =	stream.indirect_vreg.gather [hbm4b:s10+s2], $0x80, v4, vm0, $0xb8;
	[tilespmem:$0xF080] =	vst v63  }
0x4b: {  	s23 =	simm.s32 $0x7880  }
0x4c: {  	[tilespmem:s23], [sflag:$0x1] =	stream.indirect_vreg.gather [hbm4b:s3+s2], $0x80, v3, vm0, $0xb8;
	[tilespmem:$0xF080] =	vst v63  }
0x4d: {  	s24 =	simm.s32 $0x8080  }
0x4e: {  	[tilespmem:s24], [sflag:$0x1] =	stream.indirect_vreg.gather [hbm4b:s7+s2], $0x80, v3, vm0, $0xb8;
	[tilespmem:$0xF080] =	vst v63  }
0x4f: {  	s25 =	simm.s32 $0x8880  }
0x50: {  	[tilespmem:s25], [sflag:$0x1] =	stream.indirect_vreg.gather [hbm4b:s8+s2], $0x80, v3, vm0, $0xb8;
	[tilespmem:$0xF080] =	vst v63  }
0x51: {  	_ = 	snop  }
0x52: {  	[tilespmem:s26], [sflag:$0x1] =	stream.indirect_vreg.gather [hbm4b:s9+s2], $0x80, v3, vm0, $0xb8;
	[tilespmem:$0xF080] =	vst v63  }
0x53: {  	_ = 	snop  }
0x54: {  	[tilespmem:s28], [sflag:$0x1] =	stream.indirect_vreg.gather [hbm4b:s10+s2], $0x80, v3, vm0, $0xb8;
	[tilespmem:$0xF080] =	vst v63  }
0x55: {  	v3 =	vld.msk [tilespmem:$0x20], $0xff;
	_ =	sdelay $0x4  }
0x56: {  	v4 =	vshrl.u32 v3, $0x3  }
0x57: {  	v4 =	vmul.u32 $0x50, v4  }
0x58: {  	v3 =	vand.u32 $0x7, v3  }
0x59: {  	v3 =	vor.u32 v3, v4  }
0x5a: {  	v3 =	vperm.xlane v3, v0;
	_ =	sdelay $0x1  }
0x5b: {  	v3 =	vadd.s32 v1, v3;
	_ =	sdelay $0x4  }
0x5c: {  	[tilespmem:s29], [sflag:$0x1] =	stream.indirect_vreg.gather [hbm4b:s3+s2], $0x80, v3, vm0, $0xb8;
	[tilespmem:$0xF080] =	vst v63  }
0x5d: {  	_ = 	snop  }
0x5e: {  	[tilespmem:s30], [sflag:$0x1] =	stream.indirect_vreg.gather [hbm4b:s7+s2], $0x80, v3, vm0, $0xb8;
	[tilespmem:$0xF080] =	vst v63  }
0x5f: {  	_ = 	snop  }
0x60: {  	[tilespmem:s31], [sflag:$0x1] =	stream.indirect_vreg.gather [hbm4b:s8+s2], $0x80, v3, vm0, $0xb8;
	[tilespmem:$0xF080] =	vst v63  }
0x61: {  	_ = 	snop  }
0x62: {  	[tilespmem:s1], [sflag:$0x1] =	stream.indirect_vreg.gather [hbm4b:s9+s2], $0x80, v3, vm0, $0xb8;
	[tilespmem:$0xF080] =	vst v63  }
0x63: {  	_ = 	snop  }
0x64: {  	[tilespmem:s0], [sflag:$0x1] =	stream.indirect_vreg.gather [hbm4b:s10+s2], $0x80, v3, vm0, $0xb8;
	[tilespmem:$0xF080] =	vst v63  }
0x65: {  	_ =	swait.ge [sflag:s19], $0xC800  }
0x66: {  	[sflag:s19] =	ssyncset.done $0x0  }
0x67: {  	s23 =	simm.s32 $0x0;
	[sflag:s19] =	ssyncadd.s32 $0xFFFF3800  }
0x68: {  	v3 =	vld [tilespmem:s23+$0xC880]  }
0x69: {  	v4 =	vld [tilespmem:s23+$0xD280];
	_ =	sdelay $0x3  }
0x6a: {  	v5 =	vshrl.u32 v3, $0x3  }
0x6b: {  	v6 =	vshll.u32 v4, $0x3;
	v5 =	vmul.u32 $0x2800, v5  }
0x6c: {  	v6 =	vand.u32 $0xFFFFFC00, v6  }
0x6d: {  	v7 =	vand.u32 $0x7F, v4;
	v3 =	vshll.u32 v3, $0x7;
	v6 =	vadd.s32 v5, v6  }
0x6e: {  	v3 =	vand.u32 $0x380, v3;
	v6 =	vor.u32 v7, v6  }
0x6f: {  	v6 =	vor.u32 v3, v6  }
0x70: {  	s22 =	simm.s32 $0x10;
	v4 =	vadd.s32 $0x1, v4  }
0x71: {  	v8 =	vld [tilespmem:s22+$0xC880];
	v7 =	vshll.u32 v4, $0x3  }
0x72: {  	v9 =	vld [tilespmem:s22+$0xD280];
	v7 =	vand.u32 $0xFFFFFC00, v7  }
0x73: {  	v4 =	vand.u32 $0x7F, v4;
	v5 =	vadd.s32 v5, v7  }
0x74: {  	v4 =	vor.u32 v4, v5;
	v6 =	vld.idx.msk [tilespmem:v6+s21+$0x0], $0xffff  }
0x75: {  	v3 =	vor.u32 v3, v4  }
0x76: {  	v4 =	vshrl.u32 v8, $0x3  }
0x77: {  	v5 =	vshll.u32 v9, $0x3;
	v4 =	vmul.u32 $0x2800, v4  }
0x78: {  	v5 =	vand.u32 $0xFFFFFC00, v5  }
0x79: {  	v7 =	vand.u32 $0x7F, v9;
	v10 =	vadd.s32 v4, v5;
	v5 =	vshll.u32 v8, $0x7;
	[tilespmem:s23+$0xDC80] =	vst v6  }
0x7a: {  	v5 =	vand.u32 $0x380, v5;
	v6 =	vld.idx.msk [tilespmem:v3+s21+$0x0], $0xffff;
	v3 =	vor.u32 v7, v10  }
0x7b: {  	v7 =	vor.u32 v5, v3;
	_ =	sdelay $0x1  }
0x7c: {  	s24 =	simm.s32 $0x20;
	v8 =	vadd.s32 $0x1, v9  }
0x7d: {  	s25 =	simm.s32 $0xC0;
	v9 =	vshll.u32 v8, $0x3;
	v3 =	vld [tilespmem:s24+$0xD280]  }
.LBB2_2:
0x7e: {  	p3 =	sne.s32 s25, $0x27C0;
	v10 =	vld [tilespmem:s24+$0xC880];
	v9 =	vand.u32 $0xFFFFFC00, v9;
	[tilespmem:s23+$0xE680] =	vst v6;
	s23 =	smov.u32 s22;
	s22 =	smov.u32 s24  }
0x7f: {  	v6 =	vld.idx.msk [tilespmem:v7+s21+$0x0], $0xffff;
	v7 =	vand.u32 $0x7F, v8;
	v4 =	vadd.s32 v4, v9  }
0x80: {  	v4 =	vor.u32 v7, v4  }
0x81: {  	v5 =	vor.u32 v5, v4;
	_ =	sdelay $0x1  }
0x82: {  	v4 =	vshrl.u32 v10, $0x3  }
0x83: {  	v7 =	vshll.u32 v3, $0x3;
	v4 =	vmul.u32 $0x2800, v4  }
0x84: {  	v7 =	vand.u32 $0xFFFFFC00, v7;
	[tilespmem:s23+$0xDC80] =	vst v6  }
0x85: {  	v8 =	vand.u32 $0x7F, v3;
	v9 =	vshll.u32 v10, $0x7;
	v7 =	vadd.s32 v4, v7;
	v6 =	vld.idx.msk [tilespmem:v5+s21+$0x0], $0xffff  }
.Ltmp0:
0x86: {  	v5 =	vand.u32 $0x380, v9;
	v7 =	vor.u32 v8, v7;
	(pc) =	sbr.rel @p3 .LBB2_2-.Ltmp0, $3  }
0x87: {  	v7 =	vor.u32 v5, v7;
	_ =	sdelay $0x1  }
0x88: {  	s24 =	sshra.s32 s25, $0x2;
	v8 =	vadd.s32 $0x1, v3  }
0x89: {  	s25 =	sadd.s32 $0x40, s25;
	v9 =	vshll.u32 v8, $0x3;
	v3 =	vld [tilespmem:s24+$0xD280]  }
0x8a: {  	_ = 	snop  }
0x8b: {  	v10 =	vld [tilespmem:s24+$0xC880]  }
0x8c: {  	v9 =	vand.u32 $0xFFFFFC00, v9  }
0x8d: {  	[tilespmem:s23+$0xE680] =	vst v6;
	v56 =	vand.u32 $0x7F, v8;
	v4 =	vadd.s32 v4, v9  }
0x8e: {  	v7 =	vld.idx.msk [tilespmem:v7+s21+$0x0], $0xffff;
	v4 =	vor.u32 v56, v4  }
0x8f: {  	v4 =	vor.u32 v5, v4  }
0x90: {  	v57 =	vshrl.u32 v10, $0x3  }
0x91: {  	v58 =	vshll.u32 v3, $0x3;
	v5 =	vmul.u32 $0x2800, v57  }
0x92: {  	v6 =	vand.u32 $0xFFFFFC00, v58  }
0x93: {  	v59 =	vand.u32 $0x7F, v3;
	v60 =	vshll.u32 v10, $0x7;
	[tilespmem:s22+$0xDC80] =	vst v7;
	v6 =	vadd.s32 v5, v6  }
0x94: {  	v8 =	vand.u32 $0x380, v60;
	v4 =	vld.idx.msk [tilespmem:v4+s21+$0x0], $0xffff;
	v6 =	vor.u32 v59, v6  }
0x95: {  	v6 =	vor.u32 v8, v6  }
0x96: {  	v3 =	vadd.s32 $0x1, v3  }
0x97: {  	v61 =	vshll.u32 v3, $0x3  }
0x98: {  	v7 =	vand.u32 $0xFFFFFC00, v61  }
0x99: {  	v3 =	vand.u32 $0x7F, v3;
	v62 =	vadd.s32 v5, v7;
	[tilespmem:s22+$0xE680] =	vst v4  }
0x9a: {  	v3 =	vor.u32 v3, v62;
	v63 =	vld.idx.msk [tilespmem:v6+s21+$0x0], $0xffff  }
0x9b: {  	v3 =	vor.u32 v8, v3;
	_ =	sdelay $0x3  }
0x9c: {  	[tilespmem:s24+$0xDC80] =	vst v63  }
0x9d: {  	v3 =	vld.idx.msk [tilespmem:v3+s21+$0x0], $0xffff;
	_ =	sdelay $0x4  }
0x9e: {  	s23 =	simm.s32 @!p1 $0xDC80;
	s22 =	simm.s32 @!p1 $0x0;
	[tilespmem:s24+$0xE680] =	vst v3  }
0x9f: {  	[hbm4b:s11+s22] =	stream.linear.scatter @!p1 [tilespmem:s23], [sflag:$0x2], $0xA00, $0x38;
	[tilespmem:$0xF080] =	vst v63  }
0xa0: {  	s23 =	simm.s32 @!p1 $0x2  }
0xa1: {  	_ =	swait.ge @!p1 [sflag:s23], $0xA00  }
0xa2: {  	[sflag:s23] =	ssyncset.done @!p1 $0x0  }
0xa3: {  	s24 =	simm.s32 @!p1 $0xE680;
	[sflag:s23] =	ssyncadd.s32 @!p1 $0xFFFFF600  }
0xa4: {  	[hbm4b:s12+s22] =	stream.linear.scatter @!p1 [tilespmem:s24], [sflag:$0x2], $0xA00, $0x38;
	[tilespmem:$0xF080] =	vst v63  }
0xa5: {  	_ =	swait.ge @!p1 [sflag:s23], $0xA00  }
0xa6: {  	[sflag:s23] =	ssyncset.done @!p1 $0x0  }
0xa7: {  	s22 =	simm.s32 @!p0 $0x0;
	[sflag:s23] =	ssyncadd.s32 @!p1 $0xFFFFF600;
	s23 =	simm.s32 @!p0 $0xDC80  }
0xa8: {  	[hbm4b:s13+s22] =	stream.linear.scatter @!p0 [tilespmem:s23], [sflag:$0x2], $0x640, $0x38;
	[tilespmem:$0xF080] =	vst v63  }
0xa9: {  	s23 =	simm.s32 @!p0 $0x2  }
0xaa: {  	_ =	swait.ge @!p0 [sflag:s23], $0x640  }
0xab: {  	[sflag:s23] =	ssyncset.done @!p0 $0x0  }
0xac: {  	s24 =	simm.s32 @!p0 $0xE680;
	[sflag:s23] =	ssyncadd.s32 @!p0 $0xFFFFF9C0  }
0xad: {  	[hbm4b:s14+s22] =	stream.linear.scatter @!p0 [tilespmem:s24], [sflag:$0x2], $0x640, $0x38;
	[tilespmem:$0xF080] =	vst v63  }
0xae: {  	_ =	swait.ge @!p0 [sflag:s23], $0x640  }
0xaf: {  	[sflag:s23] =	ssyncset.done @!p0 $0x0  }
0xb0: {  	s22 =	simm.s32 @!p2 $0x0;
	[sflag:s23] =	ssyncadd.s32 @!p0 $0xFFFFF9C0;
	s23 =	simm.s32 @!p2 $0xDC80  }
0xb1: {  	[hbm4b:s15+s22] =	stream.linear.scatter @!p2 [tilespmem:s23], [sflag:$0x2], $0x320, $0x38;
	[tilespmem:$0xF080] =	vst v63  }
0xb2: {  	s23 =	simm.s32 @!p2 $0x2  }
0xb3: {  	s20 =	sadd.s32 $0x1, s20;
	_ =	swait.ge @!p2 [sflag:s23], $0x320  }
0xb4: {  	p3 =	sne.s32 s20, s17;
	[sflag:s23] =	ssyncset.done @!p2 $0x0  }
.Ltmp1:
0xb5: {  	s24 =	simm.s32 @!p2 $0xE680;
	[sflag:s23] =	ssyncadd.s32 @!p2 $0xFFFFFCE0;
	(pc) =	sbr.rel @p3 .LBB2_1-.Ltmp1, $4  }
0xb6: {  	[hbm4b:s16+s22] =	stream.linear.scatter @!p2 [tilespmem:s24], [sflag:$0x2], $0x320, $0x38;
	[tilespmem:$0xF080] =	vst v63  }
0xb7: {  	_ =	swait.ge @!p2 [sflag:s23], $0x320  }
0xb8: {  	[sflag:s23] =	ssyncset.done @!p2 $0x0  }
0xb9: {  	[sflag:s23] =	ssyncadd.s32 @!p2 $0xFFFFFCE0  }
0xba: {  	_ =	sfence.sel $0x180000  }
0xbb: {  	[bflag:$0x0] =	sbarrier.arrive $0xFFFF  }
0xbc: {  	_ =	strace $0x90000047  }
0xbd: {  	s0 =	stileid.u32;
	[bflag:$0x2] =	sbarrier.arrive $0xFFFF  }
0xbe: {  	p0 =	sne.s32 s0, $0x0;
	s0 =	rddreg [dreg:$0x1]  }
0xbf: {  	s0 =	sadd.s32 @!p0 $0x100000, s0  }
0xc0: {  	[sflag:s0] =	ssyncadd.tile.s32 @!p0 $0x1;
	_ =	shalt  }
.Lfunc_end2:
_tile_overlayer_lowered:
.L_overlay_start_2:
0xc1: {  	(tag) =	ssettag $0x2  }
0xc2: {  	s0 =	rddreg [dreg:$0x0];
	s2 =	stileid.u32  }
0xc3: {  	s1 =	rddreg [dreg:$0x1];
	p0 =	sne.s32 s2, $0x0  }
0xc4: {  	s3 =	rddreg [dreg:$0x2];
	[bflag:$0x3] =	sbarrier.arrive $0xFFFF;
	s2 =	simm.s32 @!p0 $0x1C02  }
0xc5: {  	[timem:s3], [sflag:s2] =	dma.local @!p0 [hbm:s0], s1  }
0xc6: {  	s0 =	simm.s32 @!p0 $0x2  }
0xc7: {  	_ =	swait.ge @!p0 [sflag:s0], s1  }
0xc8: {  	s1 =	ssub.s32 @!p0 $0x0, s1;
	[sflag:s0] =	ssyncset.done @!p0 $0x0  }
0xc9: {  	[sflag:s0] =	ssyncadd.s32 @!p0 s1  }
0xca: {  	[bflag:$0x3] =	sbarrier.arrive $0xFFFF  }
0xcb: {  	_ =	shalt  }

</sc_bundles>
